<compile_context>
chip_gen: v7x
topology: tpu7x:2x2x1
jax: 0.10.2.dev20260603
libtpu: 0.0.44.dev20260713+nightly
codegen_flags: <defaults>
</compile_context>

<pallas_src>
import jax
import jax.numpy as jnp
from jax.experimental import pallas as pl
from jax.experimental.pallas import tpu as pltpu

_STRIDE = 8.0
_ANCHORS = ((10.0, 13.0), (16.0, 30.0), (33.0, 23.0))
_A = 3
_C = 85
_F = 76
_P = _F * _F
_T = 304
_KS = _P // _T
_N = 16


def _body(x_ref, w_ref, bs_ref, o_ref):
    w = w_ref[...]
    bs = bs_ref[...]

    lane = jax.lax.broadcasted_iota(jnp.int32, (1, 128), 1)
    m_wh = (lane == 2) | (lane == 3)
    sign = jnp.where(m_wh, 1.0, -1.0)
    scale = jnp.where(lane < 2, _STRIDE, 1.0)
    anchs = [jnp.where(lane == 2, aw, ah) for aw, ah in _ANCHORS]

    base = pl.program_id(0) * _T
    rows = jax.lax.broadcasted_iota(jnp.int32, (_T, 128), 0) + base
    col = jax.lax.broadcasted_iota(jnp.int32, (_T, 128), 1)
    xs8 = (rows % _F).astype(jnp.float32) * _STRIDE
    ys8 = (rows // _F).astype(jnp.float32) * _STRIDE
    shift8 = jnp.where(col == 0, xs8, jnp.where(col == 1, ys8, 0.0))

    for n in range(_N):
        xb = x_ref[:, n, :]
        acc = jax.lax.dot_general(
            xb, w, (((1,), (1,)), ((), ())),
            preferred_element_type=jnp.float32,
        )
        for a in range(_A):
            t = acc[:, a * 128:(a + 1) * 128]
            e = jnp.exp(t * sign + bs[:, a * 128:(a + 1) * 128])
            sig = 1.0 / (1.0 + e)
            val = jnp.where(m_wh, e * anchs[a], sig * scale + shift8)
            o_ref[n, a, :, :] = val[:, :_C]


def kernel(xin, W, b):
    N = xin.shape[0]
    xt = jnp.transpose(xin, (2, 3, 0, 1)).reshape(_P, N, 128)
    w3 = W.reshape(_A, _C, 128)
    wp = jnp.pad(w3, ((0, 0), (0, 128 - _C), (0, 0))).reshape(_A * 128, 128)
    bp = jnp.pad(b.reshape(_A, _C), ((0, 0), (0, 128 - _C))).reshape(1, _A * 128)
    sign = jnp.where((jnp.arange(128) == 2) | (jnp.arange(128) == 3), 1.0, -1.0)
    bsp = bp * jnp.tile(sign, _A)[None, :]

    out = pl.pallas_call(
        _body,
        grid=(_KS,),
        in_specs=[
            pl.BlockSpec((_T, N, 128), lambda k: (k, 0, 0)),
            pl.BlockSpec((_A * 128, 128), lambda k: (0, 0)),
            pl.BlockSpec((1, _A * 128), lambda k: (0, 0)),
        ],
        out_specs=pl.BlockSpec((N, _A, _T, _C), lambda k: (0, 0, k, 0)),
        out_shape=jax.ShapeDtypeStruct((N, _A, _P, _C), jnp.float32),
        compiler_params=pltpu.CompilerParams(
            dimension_semantics=("parallel",),
        ),
    )(xt, wp, bsp)
    return out.reshape(N, _A * _P, _C)

# --- scband reference (transcript-rebuilt; emitter-appended) ---
"""Pipeline reference for scband-yololayer-77721728188790 (READ-ONLY COPY).

The authoritative reference and input builder live on the scoring server;
editing this copy changes nothing except your own understanding.
"""

import jax, jax.numpy as jnp
import numpy as np

STRIDE = 8
ANCH_MASK = [0, 1, 2]
ANCHORS = [[10, 13], [16, 30], [33, 23], [30, 61], [62, 45], [59, 119], [116, 90], [156, 198], [373, 326]]
N_CLASSES = 80
A = 3
C = 5 + N_CLASSES  # 85
OUT_CH = A * C     # 255
IN_CH = 128
BATCH = 16
F_GRID = 76


def setup_inputs(seed: int = 0) -> dict:
    key = jax.random.key(seed)
    k1, k2, k3 = jax.random.split(key, 3)
    xin = jax.random.normal(k1, (BATCH, IN_CH, F_GRID, F_GRID), dtype=jnp.float32)
    # 1x1 conv parameters (stored as [out_ch, in_ch] since kernel is 1x1)
    W = jax.random.normal(k2, (OUT_CH, IN_CH), dtype=jnp.float32) * 0.02
    b = jax.random.normal(k3, (OUT_CH,), dtype=jnp.float32) * 0.01
    return {"xin": xin, "W": W, "b": b}


def reference(xin, W, b):
    N = xin.shape[0]
    F = xin.shape[2]
    # 1x1 conv == per-pixel matmul over channels
    out = jnp.einsum('nchw,oc->nohw', xin, W) + b[None, :, None, None]
    out = out.reshape(N, A, C, F, F)
    out = jnp.transpose(out, (0, 1, 3, 4, 2))  # (N, A, F, F, C)
    # torch.meshgrid default is 'ij' indexing
    y_shift, x_shift = jnp.meshgrid(jnp.arange(F, dtype=jnp.float32),
                                    jnp.arange(F, dtype=jnp.float32), indexing='ij')
    masked_anchors = jnp.array([[ANCHORS[i][0] / STRIDE, ANCHORS[i][1] / STRIDE] for i in ANCH_MASK],
                               dtype=jnp.float32)  # (A, 2)
    pred_cx = jax.nn.sigmoid(out[..., 0])
    pred_cy = jax.nn.sigmoid(out[..., 1])
    pred_w = out[..., 2]
    pred_h = out[..., 3]
    pred_obj = jax.nn.sigmoid(out[..., 4])
    pred_classes = jax.nn.sigmoid(out[..., 5:])
    pred_boxes = jnp.stack([
        pred_cx + x_shift,
        pred_cy + y_shift,
        masked_anchors[:, 0].reshape(1, A, 1, 1) * jnp.exp(pred_w),
        masked_anchors[:, 1].reshape(1, A, 1, 1) * jnp.exp(pred_h),
    ], axis=-1)
    output = jnp.concatenate([pred_boxes * STRIDE, pred_obj[..., None], pred_classes], axis=-1)
    output = output.reshape(N, -1, C)
    return output

if __name__ == "__main__":
    import jax
    _d = setup_inputs()
    print(jax.jit(kernel)(*tuple(_d.values())))

</pallas_src>

<mosaic_0001>
module attributes {stable_mosaic.version = 14 : i64} {
  func.func @_body(%arg0: i32, %arg1: memref<304x16x128xf32, #tpu.memory_space<vmem>>, %arg2: memref<384x128xf32, #tpu.memory_space<vmem>>, %arg3: memref<1x384xf32, #tpu.memory_space<vmem>>, %arg4: memref<16x3x304x85xf32, #tpu.memory_space<vmem>>) attributes {dimension_semantics = [#tpu.dimension_semantics<parallel>], iteration_bounds = array<i64: 19>, scalar_prefetch = 0 : i64, scratch_operands = 0 : i64, tpu.core_type = #tpu.core_type<tc>, window_params = [{transform_indices = @transform_0, window_bounds = array<i64: 304, 16, 128>}, {pipeline_mode = #tpu.pipeline_mode<synchronous>, transform_indices = @transform_1, window_bounds = array<i64: 384, 128>}, {pipeline_mode = #tpu.pipeline_mode<synchronous>, transform_indices = @transform_2, window_bounds = array<i64: 1, 384>}, {transform_indices = @transform_3, window_bounds = array<i64: 16, 3, 304, 85>}]} {
    %get3A = arith.constant 0 : index
    %get3A_0 = arith.constant 0 : index
    %get3A_1 = vector.load %arg2[%get3A, %get3A_0] : memref<384x128xf32, #tpu.memory_space<vmem>>, vector<384x128xf32>
    %get3A_2 = arith.constant 0 : index
    %get3A_3 = arith.constant 0 : index
    %get3A_4 = vector.load %arg3[%get3A_2, %get3A_3] : memref<1x384xf32, #tpu.memory_space<vmem>>, vector<1x384xf32>
    %iota3A = tpu.iota {dimensions = array<i32: 1>} : vector<1x128xi32>
    %eq3A = arith.constant 2 : i32
    %eq3A_5 = vector.broadcast %eq3A : i32 to vector<1x128xi32>
    %eq3A_6 = arith.cmpi eq, %iota3A, %eq3A_5 : vector<1x128xi32>
    %eq3A_7 = arith.constant 3 : i32
    %eq3A_8 = vector.broadcast %eq3A_7 : i32 to vector<1x128xi32>
    %eq3A_9 = arith.cmpi eq, %iota3A, %eq3A_8 : vector<1x128xi32>
    %or3A = arith.ori %eq3A_6, %eq3A_9 : vector<1x128xi1>
    %jit3A = arith.constant 1.000000e+00 : f32
    %jit3A_10 = arith.constant -1.000000e+00 : f32
    %broadcast_in_dim3A = vector.broadcast %jit3A : f32 to vector<1x128xf32>
    %broadcast_in_dim3A_11 = vector.broadcast %jit3A_10 : f32 to vector<1x128xf32>
    %select_n3A = arith.select %or3A, %broadcast_in_dim3A, %broadcast_in_dim3A_11 : vector<1x128xi1>, vector<1x128xf32>
    %lt3A = arith.constant 2 : i32
    %lt3A_12 = vector.broadcast %lt3A : i32 to vector<1x128xi32>
    %lt3A_13 = arith.cmpi slt, %iota3A, %lt3A_12 : vector<1x128xi32>
    %jit3A_14 = arith.constant 8.000000e+00 : f32
    %jit3A_15 = arith.constant 1.000000e+00 : f32
    %broadcast_in_dim3A_16 = vector.broadcast %jit3A_14 : f32 to vector<1x128xf32>
    %broadcast_in_dim3A_17 = vector.broadcast %jit3A_15 : f32 to vector<1x128xf32>
    %select_n3A_18 = arith.select %lt3A_13, %broadcast_in_dim3A_16, %broadcast_in_dim3A_17 : vector<1x128xi1>, vector<1x128xf32>
    %eq3A_19 = arith.constant 2 : i32
    %eq3A_20 = vector.broadcast %eq3A_19 : i32 to vector<1x128xi32>
    %eq3A_21 = arith.cmpi eq, %iota3A, %eq3A_20 : vector<1x128xi32>
    %jit3A_22 = arith.constant 1.000000e+01 : f32
    %jit3A_23 = arith.constant 1.300000e+01 : f32
    %broadcast_in_dim3A_24 = vector.broadcast %jit3A_22 : f32 to vector<1x128xf32>
    %broadcast_in_dim3A_25 = vector.broadcast %jit3A_23 : f32 to vector<1x128xf32>
    %select_n3A_26 = arith.select %eq3A_21, %broadcast_in_dim3A_24, %broadcast_in_dim3A_25 : vector<1x128xi1>, vector<1x128xf32>
    %eq3A_27 = arith.constant 2 : i32
    %eq3A_28 = vector.broadcast %eq3A_27 : i32 to vector<1x128xi32>
    %eq3A_29 = arith.cmpi eq, %iota3A, %eq3A_28 : vector<1x128xi32>
    %jit3A_30 = arith.constant 1.600000e+01 : f32
    %jit3A_31 = arith.constant 3.000000e+01 : f32
    %broadcast_in_dim3A_32 = vector.broadcast %jit3A_30 : f32 to vector<1x128xf32>
    %broadcast_in_dim3A_33 = vector.broadcast %jit3A_31 : f32 to vector<1x128xf32>
    %select_n3A_34 = arith.select %eq3A_29, %broadcast_in_dim3A_32, %broadcast_in_dim3A_33 : vector<1x128xi1>, vector<1x128xf32>
    %eq3A_35 = arith.constant 2 : i32
    %eq3A_36 = vector.broadcast %eq3A_35 : i32 to vector<1x128xi32>
    %eq3A_37 = arith.cmpi eq, %iota3A, %eq3A_36 : vector<1x128xi32>
    %jit3A_38 = arith.constant 3.300000e+01 : f32
    %jit3A_39 = arith.constant 2.300000e+01 : f32
    %broadcast_in_dim3A_40 = vector.broadcast %jit3A_38 : f32 to vector<1x128xf32>
    %broadcast_in_dim3A_41 = vector.broadcast %jit3A_39 : f32 to vector<1x128xf32>
    %select_n3A_42 = arith.select %eq3A_37, %broadcast_in_dim3A_40, %broadcast_in_dim3A_41 : vector<1x128xi1>, vector<1x128xf32>
    %mul3A = arith.constant 304 : i32
    %mul3A_43 = arith.muli %arg0, %mul3A : i32
    %iota3A_44 = tpu.iota {dimensions = array<i32: 0>} : vector<304x128xi32>
    %add3A = vector.broadcast %mul3A_43 : i32 to vector<304x128xi32>
    %add3A_45 = arith.addi %iota3A_44, %add3A : vector<304x128xi32>
    %iota3A_46 = tpu.iota {dimensions = array<i32: 1>} : vector<304x128xi32>
    %jit3A_47 = arith.constant 76 : i32
    %eq3A_48 = arith.constant 0 : i32
    %eq3A_49 = arith.cmpi eq, %jit3A_47, %eq3A_48 : i32
    %jit3A_50 = arith.constant 1 : i32
    %select_n3A_51 = arith.select %eq3A_49, %jit3A_50, %jit3A_47 : i32
    %rem3A = vector.broadcast %select_n3A_51 : i32 to vector<304x128xi32>
    %rem3A_52 = arith.remsi %add3A_45, %rem3A : vector<304x128xi32>
    %ne3A = arith.constant 0 : i32
    %ne3A_53 = vector.broadcast %ne3A : i32 to vector<304x128xi32>
    %ne3A_54 = arith.cmpi ne, %rem3A_52, %ne3A_53 : vector<304x128xi32>
    %lt3A_55 = arith.constant 0 : i32
    %lt3A_56 = vector.broadcast %lt3A_55 : i32 to vector<304x128xi32>
    %lt3A_57 = arith.cmpi slt, %rem3A_52, %lt3A_56 : vector<304x128xi32>
    %lt3A_58 = arith.constant 0 : i32
    %lt3A_59 = arith.cmpi slt, %select_n3A_51, %lt3A_58 : i32
    %ne3A_60 = vector.broadcast %lt3A_59 : i1 to vector<304x128xi1>
    %ne3A_61 = vector.broadcast %ne3A_60 : vector<304x128xi1> to vector<304x128xi1>
    %ne3A_62 = arith.xori %lt3A_57, %ne3A_61 : vector<304x128xi1>
    %and3A = arith.andi %ne3A_62, %ne3A_54 : vector<304x128xi1>
    %add3A_63 = vector.broadcast %select_n3A_51 : i32 to vector<304x128xi32>
    %add3A_64 = arith.addi %rem3A_52, %add3A_63 : vector<304x128xi32>
    %select_n3A_65 = arith.select %and3A, %add3A_64, %rem3A_52 : vector<304x128xi1>, vector<304x128xi32>
    %convert_element_type3A = arith.sitofp %select_n3A_65 : vector<304x128xi32> to vector<304x128xf32>
    %mul3A_66 = arith.constant 8.000000e+00 : f32
    %mul3A_67 = vector.broadcast %mul3A_66 : f32 to vector<304x128xf32>
    %mul3A_68 = arith.mulf %convert_element_type3A, %mul3A_67 : vector<304x128xf32>
    %jit3A_69 = arith.constant 76 : i32
    %div3A = vector.broadcast %jit3A_69 : i32 to vector<304x128xi32>
    %div3A_70 = arith.divsi %add3A_45, %div3A : vector<304x128xi32>
    %sign3A = arith.constant 0 : i32
    %sign3A_71 = vector.broadcast %sign3A : i32 to vector<304x128xi32>
    %sign3A_72 = arith.cmpi sgt, %add3A_45, %sign3A_71 : vector<304x128xi32>
    %sign3A_73 = arith.extui %sign3A_72 : vector<304x128xi1> to vector<304x128xi32>
    %sign3A_74 = arith.constant 0 : i32
    %sign3A_75 = vector.broadcast %sign3A_74 : i32 to vector<304x128xi32>
    %sign3A_76 = arith.cmpi slt, %add3A_45, %sign3A_75 : vector<304x128xi32>
    %sign3A_77 = arith.extui %sign3A_76 : vector<304x128xi1> to vector<304x128xi32>
    %sign3A_78 = arith.subi %sign3A_73, %sign3A_77 : vector<304x128xi32>
    %sign3A_79 = arith.constant 0 : i32
    %sign3A_80 = arith.cmpi sgt, %jit3A_69, %sign3A_79 : i32
    %sign3A_81 = arith.extui %sign3A_80 : i1 to i32
    %sign3A_82 = arith.constant 0 : i32
    %sign3A_83 = arith.cmpi slt, %jit3A_69, %sign3A_82 : i32
    %sign3A_84 = arith.extui %sign3A_83 : i1 to i32
    %sign3A_85 = arith.subi %sign3A_81, %sign3A_84 : i32
    %ne3A_86 = vector.broadcast %sign3A_85 : i32 to vector<304x128xi32>
    %ne3A_87 = arith.cmpi ne, %sign3A_78, %ne3A_86 : vector<304x128xi32>
    %rem3A_88 = vector.broadcast %jit3A_69 : i32 to vector<304x128xi32>
    %rem3A_89 = arith.remsi %add3A_45, %rem3A_88 : vector<304x128xi32>
    %ne3A_90 = arith.constant 0 : i32
    %ne3A_91 = vector.broadcast %ne3A_90 : i32 to vector<304x128xi32>
    %ne3A_92 = arith.cmpi ne, %rem3A_89, %ne3A_91 : vector<304x128xi32>
    %and3A_93 = arith.andi %ne3A_87, %ne3A_92 : vector<304x128xi1>
    %sub3A = arith.constant 1 : i32
    %sub3A_94 = vector.broadcast %sub3A : i32 to vector<304x128xi32>
    %sub3A_95 = arith.subi %div3A_70, %sub3A_94 : vector<304x128xi32>
    %select_n3A_96 = arith.select %and3A_93, %sub3A_95, %div3A_70 : vector<304x128xi1>, vector<304x128xi32>
    %convert_element_type3A_97 = arith.sitofp %select_n3A_96 : vector<304x128xi32> to vector<304x128xf32>
    %mul3A_98 = arith.constant 8.000000e+00 : f32
    %mul3A_99 = vector.broadcast %mul3A_98 : f32 to vector<304x128xf32>
    %mul3A_100 = arith.mulf %convert_element_type3A_97, %mul3A_99 : vector<304x128xf32>
    %eq3A_101 = arith.constant 0 : i32
    %eq3A_102 = vector.broadcast %eq3A_101 : i32 to vector<304x128xi32>
    %eq3A_103 = arith.cmpi eq, %iota3A_46, %eq3A_102 : vector<304x128xi32>
    %eq3A_104 = arith.constant 1 : i32
    %eq3A_105 = vector.broadcast %eq3A_104 : i32 to vector<304x128xi32>
    %eq3A_106 = arith.cmpi eq, %iota3A_46, %eq3A_105 : vector<304x128xi32>
    %jit3A_107 = arith.constant 0.000000e+00 : f32
    %broadcast_in_dim3A_108 = vector.broadcast %jit3A_107 : f32 to vector<304x128xf32>
    %select_n3A_109 = arith.select %eq3A_106, %mul3A_100, %broadcast_in_dim3A_108 : vector<304x128xi1>, vector<304x128xf32>
    %select_n3A_110 = arith.select %eq3A_103, %mul3A_68, %select_n3A_109 : vector<304x128xi1>, vector<304x128xf32>
    %get3A_111 = arith.constant 0 : index
    %get3A_112 = arith.constant 0 : index
    %get3A_113 = arith.constant 0 : index
    %get3A_114 = vector.load %arg1[%get3A_111, %get3A_112, %get3A_113] : memref<304x16x128xf32, #tpu.memory_space<vmem>>, vector<304x1x128xf32>
    %get3A_115 = vector.shape_cast %get3A_114 : vector<304x1x128xf32> to vector<304x128xf32>
    %dot_general3A = arith.constant dense<0.000000e+00> : vector<304x384xf32>
    %dot_general3A_116 = tpu.matmul %get3A_115, %get3A_1, %dot_general3A {dimension_numbers = #tpu.dot_dimension_numbers<[1], [1], [0], [0], [0, 0, 1, 0], [], []>, transpose_lhs_hint = false} : vector<304x128xf32>, vector<384x128xf32>, vector<304x384xf32> -> vector<304x384xf32>
    %slice3A = vector.extract_strided_slice %dot_general3A_116 {offsets = [0, 0], sizes = [304, 128], strides = [1, 1]} : vector<304x384xf32> to vector<304x128xf32>
    %mul3A_117 = vector.broadcast %select_n3A : vector<1x128xf32> to vector<304x128xf32>
    %mul3A_118 = arith.mulf %slice3A, %mul3A_117 : vector<304x128xf32>
    %slice3A_119 = vector.extract_strided_slice %get3A_4 {offsets = [0, 0], sizes = [1, 128], strides = [1, 1]} : vector<1x384xf32> to vector<1x128xf32>
    %add3A_120 = vector.broadcast %slice3A_119 : vector<1x128xf32> to vector<304x128xf32>
    %add3A_121 = arith.addf %mul3A_118, %add3A_120 : vector<304x128xf32>
    %exp3A = math.exp %add3A_121 : vector<304x128xf32>
    %add3A_122 = arith.constant 1.000000e+00 : f32
    %add3A_123 = vector.broadcast %add3A_122 : f32 to vector<304x128xf32>
    %add3A_124 = arith.addf %add3A_123, %exp3A : vector<304x128xf32>
    %div3A_125 = arith.constant 1.000000e+00 : f32
    %div3A_126 = vector.broadcast %div3A_125 : f32 to vector<304x128xf32>
    %div3A_127 = arith.divf %div3A_126, %add3A_124 : vector<304x128xf32>
    %mul3A_128 = vector.broadcast %select_n3A_26 : vector<1x128xf32> to vector<304x128xf32>
    %mul3A_129 = arith.mulf %exp3A, %mul3A_128 : vector<304x128xf32>
    %mul3A_130 = vector.broadcast %select_n3A_18 : vector<1x128xf32> to vector<304x128xf32>
    %mul3A_131 = arith.mulf %div3A_127, %mul3A_130 : vector<304x128xf32>
    %add3A_132 = arith.addf %mul3A_131, %select_n3A_110 : vector<304x128xf32>
    %broadcast_in_dim3A_133 = vector.shape_cast %or3A : vector<1x128xi1> to vector<1x128xi1>
    %broadcast_in_dim3A_134 = vector.broadcast %broadcast_in_dim3A_133 : vector<1x128xi1> to vector<304x128xi1>
    %select_n3A_135 = arith.select %broadcast_in_dim3A_134, %mul3A_129, %add3A_132 : vector<304x128xi1>, vector<304x128xf32>
    %slice3A_136 = vector.extract_strided_slice %select_n3A_135 {offsets = [0, 0], sizes = [304, 85], strides = [1, 1]} : vector<304x128xf32> to vector<304x85xf32>
    %swap3A = arith.constant 0 : index
    %swap3A_137 = arith.constant 0 : index
    %swap3A_138 = arith.constant 0 : index
    %swap3A_139 = arith.constant 0 : index
    %swap3A_140 = vector.load %arg4[%swap3A, %swap3A_137, %swap3A_138, %swap3A_139] : memref<16x3x304x85xf32, #tpu.memory_space<vmem>>, vector<1x1x304x85xf32>
    %swap3A_141 = vector.shape_cast %swap3A_140 : vector<1x1x304x85xf32> to vector<304x85xf32>
    %swap3A_142 = vector.shape_cast %slice3A_136 : vector<304x85xf32> to vector<1x1x304x85xf32>
    tpu.vector_store %arg4[%swap3A, %swap3A_137, %swap3A_138, %swap3A_139], %swap3A_142 {strides = array<i32>} : memref<16x3x304x85xf32, #tpu.memory_space<vmem>>, vector<1x1x304x85xf32>,
    %slice3A_143 = vector.extract_strided_slice %dot_general3A_116 {offsets = [0, 128], sizes = [304, 128], strides = [1, 1]} : vector<304x384xf32> to vector<304x128xf32>
    %mul3A_144 = vector.broadcast %select_n3A : vector<1x128xf32> to vector<304x128xf32>
    %mul3A_145 = arith.mulf %slice3A_143, %mul3A_144 : vector<304x128xf32>
    %slice3A_146 = vector.extract_strided_slice %get3A_4 {offsets = [0, 128], sizes = [1, 128], strides = [1, 1]} : vector<1x384xf32> to vector<1x128xf32>
    %add3A_147 = vector.broadcast %slice3A_146 : vector<1x128xf32> to vector<304x128xf32>
    %add3A_148 = arith.addf %mul3A_145, %add3A_147 : vector<304x128xf32>
    %exp3A_149 = math.exp %add3A_148 : vector<304x128xf32>
    %add3A_150 = arith.constant 1.000000e+00 : f32
    %add3A_151 = vector.broadcast %add3A_150 : f32 to vector<304x128xf32>
    %add3A_152 = arith.addf %add3A_151, %exp3A_149 : vector<304x128xf32>
    %div3A_153 = arith.constant 1.000000e+00 : f32
    %div3A_154 = vector.broadcast %div3A_153 : f32 to vector<304x128xf32>
    %div3A_155 = arith.divf %div3A_154, %add3A_152 : vector<304x128xf32>
    %mul3A_156 = vector.broadcast %select_n3A_34 : vector<1x128xf32> to vector<304x128xf32>
    %mul3A_157 = arith.mulf %exp3A_149, %mul3A_156 : vector<304x128xf32>
    %mul3A_158 = vector.broadcast %select_n3A_18 : vector<1x128xf32> to vector<304x128xf32>
    %mul3A_159 = arith.mulf %div3A_155, %mul3A_158 : vector<304x128xf32>
    %add3A_160 = arith.addf %mul3A_159, %select_n3A_110 : vector<304x128xf32>
    %broadcast_in_dim3A_161 = vector.shape_cast %or3A : vector<1x128xi1> to vector<1x128xi1>
    %broadcast_in_dim3A_162 = vector.broadcast %broadcast_in_dim3A_161 : vector<1x128xi1> to vector<304x128xi1>
    %select_n3A_163 = arith.select %broadcast_in_dim3A_162, %mul3A_157, %add3A_160 : vector<304x128xi1>, vector<304x128xf32>
    %slice3A_164 = vector.extract_strided_slice %select_n3A_163 {offsets = [0, 0], sizes = [304, 85], strides = [1, 1]} : vector<304x128xf32> to vector<304x85xf32>
    %swap3A_165 = arith.constant 0 : index
    %swap3A_166 = arith.constant 1 : index
    %swap3A_167 = arith.constant 0 : index
    %swap3A_168 = arith.constant 0 : index
    %swap3A_169 = vector.load %arg4[%swap3A_165, %swap3A_166, %swap3A_167, %swap3A_168] : memref<16x3x304x85xf32, #tpu.memory_space<vmem>>, vector<1x1x304x85xf32>
    %swap3A_170 = vector.shape_cast %swap3A_169 : vector<1x1x304x85xf32> to vector<304x85xf32>
    %swap3A_171 = vector.shape_cast %slice3A_164 : vector<304x85xf32> to vector<1x1x304x85xf32>
    tpu.vector_store %arg4[%swap3A_165, %swap3A_166, %swap3A_167, %swap3A_168], %swap3A_171 {strides = array<i32>} : memref<16x3x304x85xf32, #tpu.memory_space<vmem>>, vector<1x1x304x85xf32>,
    %slice3A_172 = vector.extract_strided_slice %dot_general3A_116 {offsets = [0, 256], sizes = [304, 128], strides = [1, 1]} : vector<304x384xf32> to vector<304x128xf32>
    %mul3A_173 = vector.broadcast %select_n3A : vector<1x128xf32> to vector<304x128xf32>
    %mul3A_174 = arith.mulf %slice3A_172, %mul3A_173 : vector<304x128xf32>
    %slice3A_175 = vector.extract_strided_slice %get3A_4 {offsets = [0, 256], sizes = [1, 128], strides = [1, 1]} : vector<1x384xf32> to vector<1x128xf32>
    %add3A_176 = vector.broadcast %slice3A_175 : vector<1x128xf32> to vector<304x128xf32>
    %add3A_177 = arith.addf %mul3A_174, %add3A_176 : vector<304x128xf32>
    %exp3A_178 = math.exp %add3A_177 : vector<304x128xf32>
    %add3A_179 = arith.constant 1.000000e+00 : f32
    %add3A_180 = vector.broadcast %add3A_179 : f32 to vector<304x128xf32>
    %add3A_181 = arith.addf %add3A_180, %exp3A_178 : vector<304x128xf32>
    %div3A_182 = arith.constant 1.000000e+00 : f32
    %div3A_183 = vector.broadcast %div3A_182 : f32 to vector<304x128xf32>
    %div3A_184 = arith.divf %div3A_183, %add3A_181 : vector<304x128xf32>
    %mul3A_185 = vector.broadcast %select_n3A_42 : vector<1x128xf32> to vector<304x128xf32>
    %mul3A_186 = arith.mulf %exp3A_178, %mul3A_185 : vector<304x128xf32>
    %mul3A_187 = vector.broadcast %select_n3A_18 : vector<1x128xf32> to vector<304x128xf32>
    %mul3A_188 = arith.mulf %div3A_184, %mul3A_187 : vector<304x128xf32>
    %add3A_189 = arith.addf %mul3A_188, %select_n3A_110 : vector<304x128xf32>
    %broadcast_in_dim3A_190 = vector.shape_cast %or3A : vector<1x128xi1> to vector<1x128xi1>
    %broadcast_in_dim3A_191 = vector.broadcast %broadcast_in_dim3A_190 : vector<1x128xi1> to vector<304x128xi1>
    %select_n3A_192 = arith.select %broadcast_in_dim3A_191, %mul3A_186, %add3A_189 : vector<304x128xi1>, vector<304x128xf32>
    %slice3A_193 = vector.extract_strided_slice %select_n3A_192 {offsets = [0, 0], sizes = [304, 85], strides = [1, 1]} : vector<304x128xf32> to vector<304x85xf32>
    %swap3A_194 = arith.constant 0 : index
    %swap3A_195 = arith.constant 2 : index
    %swap3A_196 = arith.constant 0 : index
    %swap3A_197 = arith.constant 0 : index
    %swap3A_198 = vector.load %arg4[%swap3A_194, %swap3A_195, %swap3A_196, %swap3A_197] : memref<16x3x304x85xf32, #tpu.memory_space<vmem>>, vector<1x1x304x85xf32>
    %swap3A_199 = vector.shape_cast %swap3A_198 : vector<1x1x304x85xf32> to vector<304x85xf32>
    %swap3A_200 = vector.shape_cast %slice3A_193 : vector<304x85xf32> to vector<1x1x304x85xf32>
    tpu.vector_store %arg4[%swap3A_194, %swap3A_195, %swap3A_196, %swap3A_197], %swap3A_200 {strides = array<i32>} : memref<16x3x304x85xf32, #tpu.memory_space<vmem>>, vector<1x1x304x85xf32>,
    %get3A_201 = arith.constant 0 : index
    %get3A_202 = arith.constant 1 : index
    %get3A_203 = arith.constant 0 : index
    %get3A_204 = vector.load %arg1[%get3A_201, %get3A_202, %get3A_203] : memref<304x16x128xf32, #tpu.memory_space<vmem>>, vector<304x1x128xf32>
    %get3A_205 = vector.shape_cast %get3A_204 : vector<304x1x128xf32> to vector<304x128xf32>
    %dot_general3A_206 = arith.constant dense<0.000000e+00> : vector<304x384xf32>
    %dot_general3A_207 = tpu.matmul %get3A_205, %get3A_1, %dot_general3A_206 {dimension_numbers = #tpu.dot_dimension_numbers<[1], [1], [0], [0], [0, 0, 1, 0], [], []>, transpose_lhs_hint = false} : vector<304x128xf32>, vector<384x128xf32>, vector<304x384xf32> -> vector<304x384xf32>
    %slice3A_208 = vector.extract_strided_slice %dot_general3A_207 {offsets = [0, 0], sizes = [304, 128], strides = [1, 1]} : vector<304x384xf32> to vector<304x128xf32>
    %mul3A_209 = vector.broadcast %select_n3A : vector<1x128xf32> to vector<304x128xf32>
    %mul3A_210 = arith.mulf %slice3A_208, %mul3A_209 : vector<304x128xf32>
    %slice3A_211 = vector.extract_strided_slice %get3A_4 {offsets = [0, 0], sizes = [1, 128], strides = [1, 1]} : vector<1x384xf32> to vector<1x128xf32>
    %add3A_212 = vector.broadcast %slice3A_211 : vector<1x128xf32> to vector<304x128xf32>
    %add3A_213 = arith.addf %mul3A_210, %add3A_212 : vector<304x128xf32>
    %exp3A_214 = math.exp %add3A_213 : vector<304x128xf32>
    %add3A_215 = arith.constant 1.000000e+00 : f32
    %add3A_216 = vector.broadcast %add3A_215 : f32 to vector<304x128xf32>
    %add3A_217 = arith.addf %add3A_216, %exp3A_214 : vector<304x128xf32>
    %div3A_218 = arith.constant 1.000000e+00 : f32
    %div3A_219 = vector.broadcast %div3A_218 : f32 to vector<304x128xf32>
    %div3A_220 = arith.divf %div3A_219, %add3A_217 : vector<304x128xf32>
    %mul3A_221 = vector.broadcast %select_n3A_26 : vector<1x128xf32> to vector<304x128xf32>
    %mul3A_222 = arith.mulf %exp3A_214, %mul3A_221 : vector<304x128xf32>
    %mul3A_223 = vector.broadcast %select_n3A_18 : vector<1x128xf32> to vector<304x128xf32>
    %mul3A_224 = arith.mulf %div3A_220, %mul3A_223 : vector<304x128xf32>
    %add3A_225 = arith.addf %mul3A_224, %select_n3A_110 : vector<304x128xf32>
    %broadcast_in_dim3A_226 = vector.shape_cast %or3A : vector<1x128xi1> to vector<1x128xi1>
    %broadcast_in_dim3A_227 = vector.broadcast %broadcast_in_dim3A_226 : vector<1x128xi1> to vector<304x128xi1>
    %select_n3A_228 = arith.select %broadcast_in_dim3A_227, %mul3A_222, %add3A_225 : vector<304x128xi1>, vector<304x128xf32>
    %slice3A_229 = vector.extract_strided_slice %select_n3A_228 {offsets = [0, 0], sizes = [304, 85], strides = [1, 1]} : vector<304x128xf32> to vector<304x85xf32>
    %swap3A_230 = arith.constant 1 : index
    %swap3A_231 = arith.constant 0 : index
    %swap3A_232 = arith.constant 0 : index
    %swap3A_233 = arith.constant 0 : index
    %swap3A_234 = vector.load %arg4[%swap3A_230, %swap3A_231, %swap3A_232, %swap3A_233] : memref<16x3x304x85xf32, #tpu.memory_space<vmem>>, vector<1x1x304x85xf32>
    %swap3A_235 = vector.shape_cast %swap3A_234 : vector<1x1x304x85xf32> to vector<304x85xf32>
    %swap3A_236 = vector.shape_cast %slice3A_229 : vector<304x85xf32> to vector<1x1x304x85xf32>
    tpu.vector_store %arg4[%swap3A_230, %swap3A_231, %swap3A_232, %swap3A_233], %swap3A_236 {strides = array<i32>} : memref<16x3x304x85xf32, #tpu.memory_space<vmem>>, vector<1x1x304x85xf32>,
    %slice3A_237 = vector.extract_strided_slice %dot_general3A_207 {offsets = [0, 128], sizes = [304, 128], strides = [1, 1]} : vector<304x384xf32> to vector<304x128xf32>
    %mul3A_238 = vector.broadcast %select_n3A : vector<1x128xf32> to vector<304x128xf32>
    %mul3A_239 = arith.mulf %slice3A_237, %mul3A_238 : vector<304x128xf32>
    %slice3A_240 = vector.extract_strided_slice %get3A_4 {offsets = [0, 128], sizes = [1, 128], strides = [1, 1]} : vector<1x384xf32> to vector<1x128xf32>
    %add3A_241 = vector.broadcast %slice3A_240 : vector<1x128xf32> to vector<304x128xf32>
    %add3A_242 = arith.addf %mul3A_239, %add3A_241 : vector<304x128xf32>
    %exp3A_243 = math.exp %add3A_242 : vector<304x128xf32>
    %add3A_244 = arith.constant 1.000000e+00 : f32
    %add3A_245 = vector.broadcast %add3A_244 : f32 to vector<304x128xf32>
    %add3A_246 = arith.addf %add3A_245, %exp3A_243 : vector<304x128xf32>
    %div3A_247 = arith.constant 1.000000e+00 : f32
    %div3A_248 = vector.broadcast %div3A_247 : f32 to vector<304x128xf32>
    %div3A_249 = arith.divf %div3A_248, %add3A_246 : vector<304x128xf32>
    %mul3A_250 = vector.broadcast %select_n3A_34 : vector<1x128xf32> to vector<304x128xf32>
    %mul3A_251 = arith.mulf %exp3A_243, %mul3A_250 : vector<304x128xf32>
    %mul3A_252 = vector.broadcast %select_n3A_18 : vector<1x128xf32> to vector<304x128xf32>
    %mul3A_253 = arith.mulf %div3A_249, %mul3A_252 : vector<304x128xf32>
    %add3A_254 = arith.addf %mul3A_253, %select_n3A_110 : vector<304x128xf32>
    %broadcast_in_dim3A_255 = vector.shape_cast %or3A : vector<1x128xi1> to vector<1x128xi1>
    %broadcast_in_dim3A_256 = vector.broadcast %broadcast_in_dim3A_255 : vector<1x128xi1> to vector<304x128xi1>
    %select_n3A_257 = arith.select %broadcast_in_dim3A_256, %mul3A_251, %add3A_254 : vector<304x128xi1>, vector<304x128xf32>
    %slice3A_258 = vector.extract_strided_slice %select_n3A_257 {offsets = [0, 0], sizes = [304, 85], strides = [1, 1]} : vector<304x128xf32> to vector<304x85xf32>
    %swap3A_259 = arith.constant 1 : index
    %swap3A_260 = arith.constant 1 : index
    %swap3A_261 = arith.constant 0 : index
    %swap3A_262 = arith.constant 0 : index
    %swap3A_263 = vector.load %arg4[%swap3A_259, %swap3A_260, %swap3A_261, %swap3A_262] : memref<16x3x304x85xf32, #tpu.memory_space<vmem>>, vector<1x1x304x85xf32>
    %swap3A_264 = vector.shape_cast %swap3A_263 : vector<1x1x304x85xf32> to vector<304x85xf32>
    %swap3A_265 = vector.shape_cast %slice3A_258 : vector<304x85xf32> to vector<1x1x304x85xf32>
    tpu.vector_store %arg4[%swap3A_259, %swap3A_260, %swap3A_261, %swap3A_262], %swap3A_265 {strides = array<i32>} : memref<16x3x304x85xf32, #tpu.memory_space<vmem>>, vector<1x1x304x85xf32>,
    %slice3A_266 = vector.extract_strided_slice %dot_general3A_207 {offsets = [0, 256], sizes = [304, 128], strides = [1, 1]} : vector<304x384xf32> to vector<304x128xf32>
    %mul3A_267 = vector.broadcast %select_n3A : vector<1x128xf32> to vector<304x128xf32>
    %mul3A_268 = arith.mulf %slice3A_266, %mul3A_267 : vector<304x128xf32>
    %slice3A_269 = vector.extract_strided_slice %get3A_4 {offsets = [0, 256], sizes = [1, 128], strides = [1, 1]} : vector<1x384xf32> to vector<1x128xf32>
    %add3A_270 = vector.broadcast %slice3A_269 : vector<1x128xf32> to vector<304x128xf32>
    %add3A_271 = arith.addf %mul3A_268, %add3A_270 : vector<304x128xf32>
    %exp3A_272 = math.exp %add3A_271 : vector<304x128xf32>
    %add3A_273 = arith.constant 1.000000e+00 : f32
    %add3A_274 = vector.broadcast %add3A_273 : f32 to vector<304x128xf32>
    %add3A_275 = arith.addf %add3A_274, %exp3A_272 : vector<304x128xf32>
    %div3A_276 = arith.constant 1.000000e+00 : f32
    %div3A_277 = vector.broadcast %div3A_276 : f32 to vector<304x128xf32>
    %div3A_278 = arith.divf %div3A_277, %add3A_275 : vector<304x128xf32>
    %mul3A_279 = vector.broadcast %select_n3A_42 : vector<1x128xf32> to vector<304x128xf32>
    %mul3A_280 = arith.mulf %exp3A_272, %mul3A_279 : vector<304x128xf32>
    %mul3A_281 = vector.broadcast %select_n3A_18 : vector<1x128xf32> to vector<304x128xf32>
    %mul3A_282 = arith.mulf %div3A_278, %mul3A_281 : vector<304x128xf32>
    %add3A_283 = arith.addf %mul3A_282, %select_n3A_110 : vector<304x128xf32>
    %broadcast_in_dim3A_284 = vector.shape_cast %or3A : vector<1x128xi1> to vector<1x128xi1>
    %broadcast_in_dim3A_285 = vector.broadcast %broadcast_in_dim3A_284 : vector<1x128xi1> to vector<304x128xi1>
    %select_n3A_286 = arith.select %broadcast_in_dim3A_285, %mul3A_280, %add3A_283 : vector<304x128xi1>, vector<304x128xf32>
    %slice3A_287 = vector.extract_strided_slice %select_n3A_286 {offsets = [0, 0], sizes = [304, 85], strides = [1, 1]} : vector<304x128xf32> to vector<304x85xf32>
    %swap3A_288 = arith.constant 1 : index
    %swap3A_289 = arith.constant 2 : index
    %swap3A_290 = arith.constant 0 : index
    %swap3A_291 = arith.constant 0 : index
    %swap3A_292 = vector.load %arg4[%swap3A_288, %swap3A_289, %swap3A_290, %swap3A_291] : memref<16x3x304x85xf32, #tpu.memory_space<vmem>>, vector<1x1x304x85xf32>
    %swap3A_293 = vector.shape_cast %swap3A_292 : vector<1x1x304x85xf32> to vector<304x85xf32>
    %swap3A_294 = vector.shape_cast %slice3A_287 : vector<304x85xf32> to vector<1x1x304x85xf32>
    tpu.vector_store %arg4[%swap3A_288, %swap3A_289, %swap3A_290, %swap3A_291], %swap3A_294 {strides = array<i32>} : memref<16x3x304x85xf32, #tpu.memory_space<vmem>>, vector<1x1x304x85xf32>,
    %get3A_295 = arith.constant 0 : index
    %get3A_296 = arith.constant 2 : index
    %get3A_297 = arith.constant 0 : index
    %get3A_298 = vector.load %arg1[%get3A_295, %get3A_296, %get3A_297] : memref<304x16x128xf32, #tpu.memory_space<vmem>>, vector<304x1x128xf32>
    %get3A_299 = vector.shape_cast %get3A_298 : vector<304x1x128xf32> to vector<304x128xf32>
    %dot_general3A_300 = arith.constant dense<0.000000e+00> : vector<304x384xf32>
    %dot_general3A_301 = tpu.matmul %get3A_299, %get3A_1, %dot_general3A_300 {dimension_numbers = #tpu.dot_dimension_numbers<[1], [1], [0], [0], [0, 0, 1, 0], [], []>, transpose_lhs_hint = false} : vector<304x128xf32>, vector<384x128xf32>, vector<304x384xf32> -> vector<304x384xf32>
    %slice3A_302 = vector.extract_strided_slice %dot_general3A_301 {offsets = [0, 0], sizes = [304, 128], strides = [1, 1]} : vector<304x384xf32> to vector<304x128xf32>
    %mul3A_303 = vector.broadcast %select_n3A : vector<1x128xf32> to vector<304x128xf32>
    %mul3A_304 = arith.mulf %slice3A_302, %mul3A_303 : vector<304x128xf32>
    %slice3A_305 = vector.extract_strided_slice %get3A_4 {offsets = [0, 0], sizes = [1, 128], strides = [1, 1]} : vector<1x384xf32> to vector<1x128xf32>
    %add3A_306 = vector.broadcast %slice3A_305 : vector<1x128xf32> to vector<304x128xf32>
    %add3A_307 = arith.addf %mul3A_304, %add3A_306 : vector<304x128xf32>
    %exp3A_308 = math.exp %add3A_307 : vector<304x128xf32>
    %add3A_309 = arith.constant 1.000000e+00 : f32
    %add3A_310 = vector.broadcast %add3A_309 : f32 to vector<304x128xf32>
    %add3A_311 = arith.addf %add3A_310, %exp3A_308 : vector<304x128xf32>
    %div3A_312 = arith.constant 1.000000e+00 : f32
    %div3A_313 = vector.broadcast %div3A_312 : f32 to vector<304x128xf32>
    %div3A_314 = arith.divf %div3A_313, %add3A_311 : vector<304x128xf32>
    %mul3A_315 = vector.broadcast %select_n3A_26 : vector<1x128xf32> to vector<304x128xf32>
    %mul3A_316 = arith.mulf %exp3A_308, %mul3A_315 : vector<304x128xf32>
    %mul3A_317 = vector.broadcast %select_n3A_18 : vector<1x128xf32> to vector<304x128xf32>
    %mul3A_318 = arith.mulf %div3A_314, %mul3A_317 : vector<304x128xf32>
    %add3A_319 = arith.addf %mul3A_318, %select_n3A_110 : vector<304x128xf32>
    %broadcast_in_dim3A_320 = vector.shape_cast %or3A : vector<1x128xi1> to vector<1x128xi1>
    %broadcast_in_dim3A_321 = vector.broadcast %broadcast_in_dim3A_320 : vector<1x128xi1> to vector<304x128xi1>
    %select_n3A_322 = arith.select %broadcast_in_dim3A_321, %mul3A_316, %add3A_319 : vector<304x128xi1>, vector<304x128xf32>
    %slice3A_323 = vector.extract_strided_slice %select_n3A_322 {offsets = [0, 0], sizes = [304, 85], strides = [1, 1]} : vector<304x128xf32> to vector<304x85xf32>
    %swap3A_324 = arith.constant 2 : index
    %swap3A_325 = arith.constant 0 : index
    %swap3A_326 = arith.constant 0 : index
    %swap3A_327 = arith.constant 0 : index
    %swap3A_328 = vector.load %arg4[%swap3A_324, %swap3A_325, %swap3A_326, %swap3A_327] : memref<16x3x304x85xf32, #tpu.memory_space<vmem>>, vector<1x1x304x85xf32>
    %swap3A_329 = vector.shape_cast %swap3A_328 : vector<1x1x304x85xf32> to vector<304x85xf32>
    %swap3A_330 = vector.shape_cast %slice3A_323 : vector<304x85xf32> to vector<1x1x304x85xf32>
    tpu.vector_store %arg4[%swap3A_324, %swap3A_325, %swap3A_326, %swap3A_327], %swap3A_330 {strides = array<i32>} : memref<16x3x304x85xf32, #tpu.memory_space<vmem>>, vector<1x1x304x85xf32>,
    %slice3A_331 = vector.extract_strided_slice %dot_general3A_301 {offsets = [0, 128], sizes = [304, 128], strides = [1, 1]} : vector<304x384xf32> to vector<304x128xf32>
    %mul3A_332 = vector.broadcast %select_n3A : vector<1x128xf32> to vector<304x128xf32>
    %mul3A_333 = arith.mulf %slice3A_331, %mul3A_332 : vector<304x128xf32>
    %slice3A_334 = vector.extract_strided_slice %get3A_4 {offsets = [0, 128], sizes = [1, 128], strides = [1, 1]} : vector<1x384xf32> to vector<1x128xf32>
    %add3A_335 = vector.broadcast %slice3A_334 : vector<1x128xf32> to vector<304x128xf32>
    %add3A_336 = arith.addf %mul3A_333, %add3A_335 : vector<304x128xf32>
    %exp3A_337 = math.exp %add3A_336 : vector<304x128xf32>
    %add3A_338 = arith.constant 1.000000e+00 : f32
    %add3A_339 = vector.broadcast %add3A_338 : f32 to vector<304x128xf32>
    %add3A_340 = arith.addf %add3A_339, %exp3A_337 : vector<304x128xf32>
    %div3A_341 = arith.constant 1.000000e+00 : f32
    %div3A_342 = vector.broadcast %div3A_341 : f32 to vector<304x128xf32>
    %div3A_343 = arith.divf %div3A_342, %add3A_340 : vector<304x128xf32>
    %mul3A_344 = vector.broadcast %select_n3A_34 : vector<1x128xf32> to vector<304x128xf32>
    %mul3A_345 = arith.mulf %exp3A_337, %mul3A_344 : vector<304x128xf32>
    %mul3A_346 = vector.broadcast %select_n3A_18 : vector<1x128xf32> to vector<304x128xf32>
    %mul3A_347 = arith.mulf %div3A_343, %mul3A_346 : vector<304x128xf32>
    %add3A_348 = arith.addf %mul3A_347, %select_n3A_110 : vector<304x128xf32>
    %broadcast_in_dim3A_349 = vector.shape_cast %or3A : vector<1x128xi1> to vector<1x128xi1>
    %broadcast_in_dim3A_350 = vector.broadcast %broadcast_in_dim3A_349 : vector<1x128xi1> to vector<304x128xi1>
    %select_n3A_351 = arith.select %broadcast_in_dim3A_350, %mul3A_345, %add3A_348 : vector<304x128xi1>, vector<304x128xf32>
    %slice3A_352 = vector.extract_strided_slice %select_n3A_351 {offsets = [0, 0], sizes = [304, 85], strides = [1, 1]} : vector<304x128xf32> to vector<304x85xf32>
    %swap3A_353 = arith.constant 2 : index
    %swap3A_354 = arith.constant 1 : index
    %swap3A_355 = arith.constant 0 : index
    %swap3A_356 = arith.constant 0 : index
    %swap3A_357 = vector.load %arg4[%swap3A_353, %swap3A_354, %swap3A_355, %swap3A_356] : memref<16x3x304x85xf32, #tpu.memory_space<vmem>>, vector<1x1x304x85xf32>
    %swap3A_358 = vector.shape_cast %swap3A_357 : vector<1x1x304x85xf32> to vector<304x85xf32>
    %swap3A_359 = vector.shape_cast %slice3A_352 : vector<304x85xf32> to vector<1x1x304x85xf32>
    tpu.vector_store %arg4[%swap3A_353, %swap3A_354, %swap3A_355, %swap3A_356], %swap3A_359 {strides = array<i32>} : memref<16x3x304x85xf32, #tpu.memory_space<vmem>>, vector<1x1x304x85xf32>,
    %slice3A_360 = vector.extract_strided_slice %dot_general3A_301 {offsets = [0, 256], sizes = [304, 128], strides = [1, 1]} : vector<304x384xf32> to vector<304x128xf32>
    %mul3A_361 = vector.broadcast %select_n3A : vector<1x128xf32> to vector<304x128xf32>
    %mul3A_362 = arith.mulf %slice3A_360, %mul3A_361 : vector<304x128xf32>
    %slice3A_363 = vector.extract_strided_slice %get3A_4 {offsets = [0, 256], sizes = [1, 128], strides = [1, 1]} : vector<1x384xf32> to vector<1x128xf32>
    %add3A_364 = vector.broadcast %slice3A_363 : vector<1x128xf32> to vector<304x128xf32>
    %add3A_365 = arith.addf %mul3A_362, %add3A_364 : vector<304x128xf32>
    %exp3A_366 = math.exp %add3A_365 : vector<304x128xf32>
    %add3A_367 = arith.constant 1.000000e+00 : f32
    %add3A_368 = vector.broadcast %add3A_367 : f32 to vector<304x128xf32>
    %add3A_369 = arith.addf %add3A_368, %exp3A_366 : vector<304x128xf32>
    %div3A_370 = arith.constant 1.000000e+00 : f32
    %div3A_371 = vector.broadcast %div3A_370 : f32 to vector<304x128xf32>
    %div3A_372 = arith.divf %div3A_371, %add3A_369 : vector<304x128xf32>
    %mul3A_373 = vector.broadcast %select_n3A_42 : vector<1x128xf32> to vector<304x128xf32>
    %mul3A_374 = arith.mulf %exp3A_366, %mul3A_373 : vector<304x128xf32>
    %mul3A_375 = vector.broadcast %select_n3A_18 : vector<1x128xf32> to vector<304x128xf32>
    %mul3A_376 = arith.mulf %div3A_372, %mul3A_375 : vector<304x128xf32>
    %add3A_377 = arith.addf %mul3A_376, %select_n3A_110 : vector<304x128xf32>
    %broadcast_in_dim3A_378 = vector.shape_cast %or3A : vector<1x128xi1> to vector<1x128xi1>
    %broadcast_in_dim3A_379 = vector.broadcast %broadcast_in_dim3A_378 : vector<1x128xi1> to vector<304x128xi1>
    %select_n3A_380 = arith.select %broadcast_in_dim3A_379, %mul3A_374, %add3A_377 : vector<304x128xi1>, vector<304x128xf32>
    %slice3A_381 = vector.extract_strided_slice %select_n3A_380 {offsets = [0, 0], sizes = [304, 85], strides = [1, 1]} : vector<304x128xf32> to vector<304x85xf32>
    %swap3A_382 = arith.constant 2 : index
    %swap3A_383 = arith.constant 2 : index
    %swap3A_384 = arith.constant 0 : index
    %swap3A_385 = arith.constant 0 : index
    %swap3A_386 = vector.load %arg4[%swap3A_382, %swap3A_383, %swap3A_384, %swap3A_385] : memref<16x3x304x85xf32, #tpu.memory_space<vmem>>, vector<1x1x304x85xf32>
    %swap3A_387 = vector.shape_cast %swap3A_386 : vector<1x1x304x85xf32> to vector<304x85xf32>
    %swap3A_388 = vector.shape_cast %slice3A_381 : vector<304x85xf32> to vector<1x1x304x85xf32>
    tpu.vector_store %arg4[%swap3A_382, %swap3A_383, %swap3A_384, %swap3A_385], %swap3A_388 {strides = array<i32>} : memref<16x3x304x85xf32, #tpu.memory_space<vmem>>, vector<1x1x304x85xf32>,
    %get3A_389 = arith.constant 0 : index
    %get3A_390 = arith.constant 3 : index
    %get3A_391 = arith.constant 0 : index
    %get3A_392 = vector.load %arg1[%get3A_389, %get3A_390, %get3A_391] : memref<304x16x128xf32, #tpu.memory_space<vmem>>, vector<304x1x128xf32>
    %get3A_393 = vector.shape_cast %get3A_392 : vector<304x1x128xf32> to vector<304x128xf32>
    %dot_general3A_394 = arith.constant dense<0.000000e+00> : vector<304x384xf32>
    %dot_general3A_395 = tpu.matmul %get3A_393, %get3A_1, %dot_general3A_394 {dimension_numbers = #tpu.dot_dimension_numbers<[1], [1], [0], [0], [0, 0, 1, 0], [], []>, transpose_lhs_hint = false} : vector<304x128xf32>, vector<384x128xf32>, vector<304x384xf32> -> vector<304x384xf32>
    %slice3A_396 = vector.extract_strided_slice %dot_general3A_395 {offsets = [0, 0], sizes = [304, 128], strides = [1, 1]} : vector<304x384xf32> to vector<304x128xf32>
    %mul3A_397 = vector.broadcast %select_n3A : vector<1x128xf32> to vector<304x128xf32>
    %mul3A_398 = arith.mulf %slice3A_396, %mul3A_397 : vector<304x128xf32>
    %slice3A_399 = vector.extract_strided_slice %get3A_4 {offsets = [0, 0], sizes = [1, 128], strides = [1, 1]} : vector<1x384xf32> to vector<1x128xf32>
    %add3A_400 = vector.broadcast %slice3A_399 : vector<1x128xf32> to vector<304x128xf32>
    %add3A_401 = arith.addf %mul3A_398, %add3A_400 : vector<304x128xf32>
    %exp3A_402 = math.exp %add3A_401 : vector<304x128xf32>
    %add3A_403 = arith.constant 1.000000e+00 : f32
    %add3A_404 = vector.broadcast %add3A_403 : f32 to vector<304x128xf32>
    %add3A_405 = arith.addf %add3A_404, %exp3A_402 : vector<304x128xf32>
    %div3A_406 = arith.constant 1.000000e+00 : f32
    %div3A_407 = vector.broadcast %div3A_406 : f32 to vector<304x128xf32>
    %div3A_408 = arith.divf %div3A_407, %add3A_405 : vector<304x128xf32>
    %mul3A_409 = vector.broadcast %select_n3A_26 : vector<1x128xf32> to vector<304x128xf32>
    %mul3A_410 = arith.mulf %exp3A_402, %mul3A_409 : vector<304x128xf32>
    %mul3A_411 = vector.broadcast %select_n3A_18 : vector<1x128xf32> to vector<304x128xf32>
    %mul3A_412 = arith.mulf %div3A_408, %mul3A_411 : vector<304x128xf32>
    %add3A_413 = arith.addf %mul3A_412, %select_n3A_110 : vector<304x128xf32>
    %broadcast_in_dim3A_414 = vector.shape_cast %or3A : vector<1x128xi1> to vector<1x128xi1>
    %broadcast_in_dim3A_415 = vector.broadcast %broadcast_in_dim3A_414 : vector<1x128xi1> to vector<304x128xi1>
    %select_n3A_416 = arith.select %broadcast_in_dim3A_415, %mul3A_410, %add3A_413 : vector<304x128xi1>, vector<304x128xf32>
    %slice3A_417 = vector.extract_strided_slice %select_n3A_416 {offsets = [0, 0], sizes = [304, 85], strides = [1, 1]} : vector<304x128xf32> to vector<304x85xf32>
    %swap3A_418 = arith.constant 3 : index
    %swap3A_419 = arith.constant 0 : index
    %swap3A_420 = arith.constant 0 : index
    %swap3A_421 = arith.constant 0 : index
    %swap3A_422 = vector.load %arg4[%swap3A_418, %swap3A_419, %swap3A_420, %swap3A_421] : memref<16x3x304x85xf32, #tpu.memory_space<vmem>>, vector<1x1x304x85xf32>
    %swap3A_423 = vector.shape_cast %swap3A_422 : vector<1x1x304x85xf32> to vector<304x85xf32>
    %swap3A_424 = vector.shape_cast %slice3A_417 : vector<304x85xf32> to vector<1x1x304x85xf32>
    tpu.vector_store %arg4[%swap3A_418, %swap3A_419, %swap3A_420, %swap3A_421], %swap3A_424 {strides = array<i32>} : memref<16x3x304x85xf32, #tpu.memory_space<vmem>>, vector<1x1x304x85xf32>,
    %slice3A_425 = vector.extract_strided_slice %dot_general3A_395 {offsets = [0, 128], sizes = [304, 128], strides = [1, 1]} : vector<304x384xf32> to vector<304x128xf32>
    %mul3A_426 = vector.broadcast %select_n3A : vector<1x128xf32> to vector<304x128xf32>
    %mul3A_427 = arith.mulf %slice3A_425, %mul3A_426 : vector<304x128xf32>
    %slice3A_428 = vector.extract_strided_slice %get3A_4 {offsets = [0, 128], sizes = [1, 128], strides = [1, 1]} : vector<1x384xf32> to vector<1x128xf32>
    %add3A_429 = vector.broadcast %slice3A_428 : vector<1x128xf32> to vector<304x128xf32>
    %add3A_430 = arith.addf %mul3A_427, %add3A_429 : vector<304x128xf32>
    %exp3A_431 = math.exp %add3A_430 : vector<304x128xf32>
    %add3A_432 = arith.constant 1.000000e+00 : f32
    %add3A_433 = vector.broadcast %add3A_432 : f32 to vector<304x128xf32>
    %add3A_434 = arith.addf %add3A_433, %exp3A_431 : vector<304x128xf32>
    %div3A_435 = arith.constant 1.000000e+00 : f32
    %div3A_436 = vector.broadcast %div3A_435 : f32 to vector<304x128xf32>
    %div3A_437 = arith.divf %div3A_436, %add3A_434 : vector<304x128xf32>
    %mul3A_438 = vector.broadcast %select_n3A_34 : vector<1x128xf32> to vector<304x128xf32>
    %mul3A_439 = arith.mulf %exp3A_431, %mul3A_438 : vector<304x128xf32>
    %mul3A_440 = vector.broadcast %select_n3A_18 : vector<1x128xf32> to vector<304x128xf32>
    %mul3A_441 = arith.mulf %div3A_437, %mul3A_440 : vector<304x128xf32>
    %add3A_442 = arith.addf %mul3A_441, %select_n3A_110 : vector<304x128xf32>
    %broadcast_in_dim3A_443 = vector.shape_cast %or3A : vector<1x128xi1> to vector<1x128xi1>
    %broadcast_in_dim3A_444 = vector.broadcast %broadcast_in_dim3A_443 : vector<1x128xi1> to vector<304x128xi1>
    %select_n3A_445 = arith.select %broadcast_in_dim3A_444, %mul3A_439, %add3A_442 : vector<304x128xi1>, vector<304x128xf32>
    %slice3A_446 = vector.extract_strided_slice %select_n3A_445 {offsets = [0, 0], sizes = [304, 85], strides = [1, 1]} : vector<304x128xf32> to vector<304x85xf32>
    %swap3A_447 = arith.constant 3 : index
    %swap3A_448 = arith.constant 1 : index
    %swap3A_449 = arith.constant 0 : index
    %swap3A_450 = arith.constant 0 : index
    %swap3A_451 = vector.load %arg4[%swap3A_447, %swap3A_448, %swap3A_449, %swap3A_450] : memref<16x3x304x85xf32, #tpu.memory_space<vmem>>, vector<1x1x304x85xf32>
    %swap3A_452 = vector.shape_cast %swap3A_451 : vector<1x1x304x85xf32> to vector<304x85xf32>
    %swap3A_453 = vector.shape_cast %slice3A_446 : vector<304x85xf32> to vector<1x1x304x85xf32>
    tpu.vector_store %arg4[%swap3A_447, %swap3A_448, %swap3A_449, %swap3A_450], %swap3A_453 {strides = array<i32>} : memref<16x3x304x85xf32, #tpu.memory_space<vmem>>, vector<1x1x304x85xf32>,
    %slice3A_454 = vector.extract_strided_slice %dot_general3A_395 {offsets = [0, 256], sizes = [304, 128], strides = [1, 1]} : vector<304x384xf32> to vector<304x128xf32>
    %mul3A_455 = vector.broadcast %select_n3A : vector<1x128xf32> to vector<304x128xf32>
    %mul3A_456 = arith.mulf %slice3A_454, %mul3A_455 : vector<304x128xf32>
    %slice3A_457 = vector.extract_strided_slice %get3A_4 {offsets = [0, 256], sizes = [1, 128], strides = [1, 1]} : vector<1x384xf32> to vector<1x128xf32>
    %add3A_458 = vector.broadcast %slice3A_457 : vector<1x128xf32> to vector<304x128xf32>
    %add3A_459 = arith.addf %mul3A_456, %add3A_458 : vector<304x128xf32>
    %exp3A_460 = math.exp %add3A_459 : vector<304x128xf32>
    %add3A_461 = arith.constant 1.000000e+00 : f32
    %add3A_462 = vector.broadcast %add3A_461 : f32 to vector<304x128xf32>
    %add3A_463 = arith.addf %add3A_462, %exp3A_460 : vector<304x128xf32>
    %div3A_464 = arith.constant 1.000000e+00 : f32
    %div3A_465 = vector.broadcast %div3A_464 : f32 to vector<304x128xf32>
    %div3A_466 = arith.divf %div3A_465, %add3A_463 : vector<304x128xf32>
    %mul3A_467 = vector.broadcast %select_n3A_42 : vector<1x128xf32> to vector<304x128xf32>
    %mul3A_468 = arith.mulf %exp3A_460, %mul3A_467 : vector<304x128xf32>
    %mul3A_469 = vector.broadcast %select_n3A_18 : vector<1x128xf32> to vector<304x128xf32>
    %mul3A_470 = arith.mulf %div3A_466, %mul3A_469 : vector<304x128xf32>
    %add3A_471 = arith.addf %mul3A_470, %select_n3A_110 : vector<304x128xf32>
    %broadcast_in_dim3A_472 = vector.shape_cast %or3A : vector<1x128xi1> to vector<1x128xi1>
    %broadcast_in_dim3A_473 = vector.broadcast %broadcast_in_dim3A_472 : vector<1x128xi1> to vector<304x128xi1>
    %select_n3A_474 = arith.select %broadcast_in_dim3A_473, %mul3A_468, %add3A_471 : vector<304x128xi1>, vector<304x128xf32>
    %slice3A_475 = vector.extract_strided_slice %select_n3A_474 {offsets = [0, 0], sizes = [304, 85], strides = [1, 1]} : vector<304x128xf32> to vector<304x85xf32>
    %swap3A_476 = arith.constant 3 : index
    %swap3A_477 = arith.constant 2 : index
    %swap3A_478 = arith.constant 0 : index
    %swap3A_479 = arith.constant 0 : index
    %swap3A_480 = vector.load %arg4[%swap3A_476, %swap3A_477, %swap3A_478, %swap3A_479] : memref<16x3x304x85xf32, #tpu.memory_space<vmem>>, vector<1x1x304x85xf32>
    %swap3A_481 = vector.shape_cast %swap3A_480 : vector<1x1x304x85xf32> to vector<304x85xf32>
    %swap3A_482 = vector.shape_cast %slice3A_475 : vector<304x85xf32> to vector<1x1x304x85xf32>
    tpu.vector_store %arg4[%swap3A_476, %swap3A_477, %swap3A_478, %swap3A_479], %swap3A_482 {strides = array<i32>} : memref<16x3x304x85xf32, #tpu.memory_space<vmem>>, vector<1x1x304x85xf32>,
    %get3A_483 = arith.constant 0 : index
    %get3A_484 = arith.constant 4 : index
    %get3A_485 = arith.constant 0 : index
    %get3A_486 = vector.load %arg1[%get3A_483, %get3A_484, %get3A_485] : memref<304x16x128xf32, #tpu.memory_space<vmem>>, vector<304x1x128xf32>
    %get3A_487 = vector.shape_cast %get3A_486 : vector<304x1x128xf32> to vector<304x128xf32>
    %dot_general3A_488 = arith.constant dense<0.000000e+00> : vector<304x384xf32>
    %dot_general3A_489 = tpu.matmul %get3A_487, %get3A_1, %dot_general3A_488 {dimension_numbers = #tpu.dot_dimension_numbers<[1], [1], [0], [0], [0, 0, 1, 0], [], []>, transpose_lhs_hint = false} : vector<304x128xf32>, vector<384x128xf32>, vector<304x384xf32> -> vector<304x384xf32>
    %slice3A_490 = vector.extract_strided_slice %dot_general3A_489 {offsets = [0, 0], sizes = [304, 128], strides = [1, 1]} : vector<304x384xf32> to vector<304x128xf32>
    %mul3A_491 = vector.broadcast %select_n3A : vector<1x128xf32> to vector<304x128xf32>
    %mul3A_492 = arith.mulf %slice3A_490, %mul3A_491 : vector<304x128xf32>
    %slice3A_493 = vector.extract_strided_slice %get3A_4 {offsets = [0, 0], sizes = [1, 128], strides = [1, 1]} : vector<1x384xf32> to vector<1x128xf32>
    %add3A_494 = vector.broadcast %slice3A_493 : vector<1x128xf32> to vector<304x128xf32>
    %add3A_495 = arith.addf %mul3A_492, %add3A_494 : vector<304x128xf32>
    %exp3A_496 = math.exp %add3A_495 : vector<304x128xf32>
    %add3A_497 = arith.constant 1.000000e+00 : f32
    %add3A_498 = vector.broadcast %add3A_497 : f32 to vector<304x128xf32>
    %add3A_499 = arith.addf %add3A_498, %exp3A_496 : vector<304x128xf32>
    %div3A_500 = arith.constant 1.000000e+00 : f32
    %div3A_501 = vector.broadcast %div3A_500 : f32 to vector<304x128xf32>
    %div3A_502 = arith.divf %div3A_501, %add3A_499 : vector<304x128xf32>
    %mul3A_503 = vector.broadcast %select_n3A_26 : vector<1x128xf32> to vector<304x128xf32>
    %mul3A_504 = arith.mulf %exp3A_496, %mul3A_503 : vector<304x128xf32>
    %mul3A_505 = vector.broadcast %select_n3A_18 : vector<1x128xf32> to vector<304x128xf32>
    %mul3A_506 = arith.mulf %div3A_502, %mul3A_505 : vector<304x128xf32>
    %add3A_507 = arith.addf %mul3A_506, %select_n3A_110 : vector<304x128xf32>
    %broadcast_in_dim3A_508 = vector.shape_cast %or3A : vector<1x128xi1> to vector<1x128xi1>
    %broadcast_in_dim3A_509 = vector.broadcast %broadcast_in_dim3A_508 : vector<1x128xi1> to vector<304x128xi1>
    %select_n3A_510 = arith.select %broadcast_in_dim3A_509, %mul3A_504, %add3A_507 : vector<304x128xi1>, vector<304x128xf32>
    %slice3A_511 = vector.extract_strided_slice %select_n3A_510 {offsets = [0, 0], sizes = [304, 85], strides = [1, 1]} : vector<304x128xf32> to vector<304x85xf32>
    %swap3A_512 = arith.constant 4 : index
    %swap3A_513 = arith.constant 0 : index
    %swap3A_514 = arith.constant 0 : index
    %swap3A_515 = arith.constant 0 : index
    %swap3A_516 = vector.load %arg4[%swap3A_512, %swap3A_513, %swap3A_514, %swap3A_515] : memref<16x3x304x85xf32, #tpu.memory_space<vmem>>, vector<1x1x304x85xf32>
    %swap3A_517 = vector.shape_cast %swap3A_516 : vector<1x1x304x85xf32> to vector<304x85xf32>
    %swap3A_518 = vector.shape_cast %slice3A_511 : vector<304x85xf32> to vector<1x1x304x85xf32>
    tpu.vector_store %arg4[%swap3A_512, %swap3A_513, %swap3A_514, %swap3A_515], %swap3A_518 {strides = array<i32>} : memref<16x3x304x85xf32, #tpu.memory_space<vmem>>, vector<1x1x304x85xf32>,
    %slice3A_519 = vector.extract_strided_slice %dot_general3A_489 {offsets = [0, 128], sizes = [304, 128], strides = [1, 1]} : vector<304x384xf32> to vector<304x128xf32>
    %mul3A_520 = vector.broadcast %select_n3A : vector<1x128xf32> to vector<304x128xf32>
    %mul3A_521 = arith.mulf %slice3A_519, %mul3A_520 : vector<304x128xf32>
    %slice3A_522 = vector.extract_strided_slice %get3A_4 {offsets = [0, 128], sizes = [1, 128], strides = [1, 1]} : vector<1x384xf32> to vector<1x128xf32>
    %add3A_523 = vector.broadcast %slice3A_522 : vector<1x128xf32> to vector<304x128xf32>
    %add3A_524 = arith.addf %mul3A_521, %add3A_523 : vector<304x128xf32>
    %exp3A_525 = math.exp %add3A_524 : vector<304x128xf32>
    %add3A_526 = arith.constant 1.000000e+00 : f32
    %add3A_527 = vector.broadcast %add3A_526 : f32 to vector<304x128xf32>
    %add3A_528 = arith.addf %add3A_527, %exp3A_525 : vector<304x128xf32>
    %div3A_529 = arith.constant 1.000000e+00 : f32
    %div3A_530 = vector.broadcast %div3A_529 : f32 to vector<304x128xf32>
    %div3A_531 = arith.divf %div3A_530, %add3A_528 : vector<304x128xf32>
    %mul3A_532 = vector.broadcast %select_n3A_34 : vector<1x128xf32> to vector<304x128xf32>
    %mul3A_533 = arith.mulf %exp3A_525, %mul3A_532 : vector<304x128xf32>
    %mul3A_534 = vector.broadcast %select_n3A_18 : vector<1x128xf32> to vector<304x128xf32>
    %mul3A_535 = arith.mulf %div3A_531, %mul3A_534 : vector<304x128xf32>
    %add3A_536 = arith.addf %mul3A_535, %select_n3A_110 : vector<304x128xf32>
    %broadcast_in_dim3A_537 = vector.shape_cast %or3A : vector<1x128xi1> to vector<1x128xi1>
    %broadcast_in_dim3A_538 = vector.broadcast %broadcast_in_dim3A_537 : vector<1x128xi1> to vector<304x128xi1>
    %select_n3A_539 = arith.select %broadcast_in_dim3A_538, %mul3A_533, %add3A_536 : vector<304x128xi1>, vector<304x128xf32>
    %slice3A_540 = vector.extract_strided_slice %select_n3A_539 {offsets = [0, 0], sizes = [304, 85], strides = [1, 1]} : vector<304x128xf32> to vector<304x85xf32>
    %swap3A_541 = arith.constant 4 : index
    %swap3A_542 = arith.constant 1 : index
    %swap3A_543 = arith.constant 0 : index
    %swap3A_544 = arith.constant 0 : index
    %swap3A_545 = vector.load %arg4[%swap3A_541, %swap3A_542, %swap3A_543, %swap3A_544] : memref<16x3x304x85xf32, #tpu.memory_space<vmem>>, vector<1x1x304x85xf32>
    %swap3A_546 = vector.shape_cast %swap3A_545 : vector<1x1x304x85xf32> to vector<304x85xf32>
    %swap3A_547 = vector.shape_cast %slice3A_540 : vector<304x85xf32> to vector<1x1x304x85xf32>
    tpu.vector_store %arg4[%swap3A_541, %swap3A_542, %swap3A_543, %swap3A_544], %swap3A_547 {strides = array<i32>} : memref<16x3x304x85xf32, #tpu.memory_space<vmem>>, vector<1x1x304x85xf32>,
    %slice3A_548 = vector.extract_strided_slice %dot_general3A_489 {offsets = [0, 256], sizes = [304, 128], strides = [1, 1]} : vector<304x384xf32> to vector<304x128xf32>
    %mul3A_549 = vector.broadcast %select_n3A : vector<1x128xf32> to vector<304x128xf32>
    %mul3A_550 = arith.mulf %slice3A_548, %mul3A_549 : vector<304x128xf32>
    %slice3A_551 = vector.extract_strided_slice %get3A_4 {offsets = [0, 256], sizes = [1, 128], strides = [1, 1]} : vector<1x384xf32> to vector<1x128xf32>
    %add3A_552 = vector.broadcast %slice3A_551 : vector<1x128xf32> to vector<304x128xf32>
    %add3A_553 = arith.addf %mul3A_550, %add3A_552 : vector<304x128xf32>
    %exp3A_554 = math.exp %add3A_553 : vector<304x128xf32>
    %add3A_555 = arith.constant 1.000000e+00 : f32
    %add3A_556 = vector.broadcast %add3A_555 : f32 to vector<304x128xf32>
    %add3A_557 = arith.addf %add3A_556, %exp3A_554 : vector<304x128xf32>
    %div3A_558 = arith.constant 1.000000e+00 : f32
    %div3A_559 = vector.broadcast %div3A_558 : f32 to vector<304x128xf32>
    %div3A_560 = arith.divf %div3A_559, %add3A_557 : vector<304x128xf32>
    %mul3A_561 = vector.broadcast %select_n3A_42 : vector<1x128xf32> to vector<304x128xf32>
    %mul3A_562 = arith.mulf %exp3A_554, %mul3A_561 : vector<304x128xf32>
    %mul3A_563 = vector.broadcast %select_n3A_18 : vector<1x128xf32> to vector<304x128xf32>
    %mul3A_564 = arith.mulf %div3A_560, %mul3A_563 : vector<304x128xf32>
    %add3A_565 = arith.addf %mul3A_564, %select_n3A_110 : vector<304x128xf32>
    %broadcast_in_dim3A_566 = vector.shape_cast %or3A : vector<1x128xi1> to vector<1x128xi1>
    %broadcast_in_dim3A_567 = vector.broadcast %broadcast_in_dim3A_566 : vector<1x128xi1> to vector<304x128xi1>
    %select_n3A_568 = arith.select %broadcast_in_dim3A_567, %mul3A_562, %add3A_565 : vector<304x128xi1>, vector<304x128xf32>
    %slice3A_569 = vector.extract_strided_slice %select_n3A_568 {offsets = [0, 0], sizes = [304, 85], strides = [1, 1]} : vector<304x128xf32> to vector<304x85xf32>
    %swap3A_570 = arith.constant 4 : index
    %swap3A_571 = arith.constant 2 : index
    %swap3A_572 = arith.constant 0 : index
    %swap3A_573 = arith.constant 0 : index
    %swap3A_574 = vector.load %arg4[%swap3A_570, %swap3A_571, %swap3A_572, %swap3A_573] : memref<16x3x304x85xf32, #tpu.memory_space<vmem>>, vector<1x1x304x85xf32>
    %swap3A_575 = vector.shape_cast %swap3A_574 : vector<1x1x304x85xf32> to vector<304x85xf32>
    %swap3A_576 = vector.shape_cast %slice3A_569 : vector<304x85xf32> to vector<1x1x304x85xf32>
    tpu.vector_store %arg4[%swap3A_570, %swap3A_571, %swap3A_572, %swap3A_573], %swap3A_576 {strides = array<i32>} : memref<16x3x304x85xf32, #tpu.memory_space<vmem>>, vector<1x1x304x85xf32>,
    %get3A_577 = arith.constant 0 : index
    %get3A_578 = arith.constant 5 : index
    %get3A_579 = arith.constant 0 : index
    %get3A_580 = vector.load %arg1[%get3A_577, %get3A_578, %get3A_579] : memref<304x16x128xf32, #tpu.memory_space<vmem>>, vector<304x1x128xf32>
    %get3A_581 = vector.shape_cast %get3A_580 : vector<304x1x128xf32> to vector<304x128xf32>
    %dot_general3A_582 = arith.constant dense<0.000000e+00> : vector<304x384xf32>
    %dot_general3A_583 = tpu.matmul %get3A_581, %get3A_1, %dot_general3A_582 {dimension_numbers = #tpu.dot_dimension_numbers<[1], [1], [0], [0], [0, 0, 1, 0], [], []>, transpose_lhs_hint = false} : vector<304x128xf32>, vector<384x128xf32>, vector<304x384xf32> -> vector<304x384xf32>
    %slice3A_584 = vector.extract_strided_slice %dot_general3A_583 {offsets = [0, 0], sizes = [304, 128], strides = [1, 1]} : vector<304x384xf32> to vector<304x128xf32>
    %mul3A_585 = vector.broadcast %select_n3A : vector<1x128xf32> to vector<304x128xf32>
    %mul3A_586 = arith.mulf %slice3A_584, %mul3A_585 : vector<304x128xf32>
    %slice3A_587 = vector.extract_strided_slice %get3A_4 {offsets = [0, 0], sizes = [1, 128], strides = [1, 1]} : vector<1x384xf32> to vector<1x128xf32>
    %add3A_588 = vector.broadcast %slice3A_587 : vector<1x128xf32> to vector<304x128xf32>
    %add3A_589 = arith.addf %mul3A_586, %add3A_588 : vector<304x128xf32>
    %exp3A_590 = math.exp %add3A_589 : vector<304x128xf32>
    %add3A_591 = arith.constant 1.000000e+00 : f32
    %add3A_592 = vector.broadcast %add3A_591 : f32 to vector<304x128xf32>
    %add3A_593 = arith.addf %add3A_592, %exp3A_590 : vector<304x128xf32>
    %div3A_594 = arith.constant 1.000000e+00 : f32
    %div3A_595 = vector.broadcast %div3A_594 : f32 to vector<304x128xf32>
    %div3A_596 = arith.divf %div3A_595, %add3A_593 : vector<304x128xf32>
    %mul3A_597 = vector.broadcast %select_n3A_26 : vector<1x128xf32> to vector<304x128xf32>
    %mul3A_598 = arith.mulf %exp3A_590, %mul3A_597 : vector<304x128xf32>
    %mul3A_599 = vector.broadcast %select_n3A_18 : vector<1x128xf32> to vector<304x128xf32>
    %mul3A_600 = arith.mulf %div3A_596, %mul3A_599 : vector<304x128xf32>
    %add3A_601 = arith.addf %mul3A_600, %select_n3A_110 : vector<304x128xf32>
    %broadcast_in_dim3A_602 = vector.shape_cast %or3A : vector<1x128xi1> to vector<1x128xi1>
    %broadcast_in_dim3A_603 = vector.broadcast %broadcast_in_dim3A_602 : vector<1x128xi1> to vector<304x128xi1>
    %select_n3A_604 = arith.select %broadcast_in_dim3A_603, %mul3A_598, %add3A_601 : vector<304x128xi1>, vector<304x128xf32>
    %slice3A_605 = vector.extract_strided_slice %select_n3A_604 {offsets = [0, 0], sizes = [304, 85], strides = [1, 1]} : vector<304x128xf32> to vector<304x85xf32>
    %swap3A_606 = arith.constant 5 : index
    %swap3A_607 = arith.constant 0 : index
    %swap3A_608 = arith.constant 0 : index
    %swap3A_609 = arith.constant 0 : index
    %swap3A_610 = vector.load %arg4[%swap3A_606, %swap3A_607, %swap3A_608, %swap3A_609] : memref<16x3x304x85xf32, #tpu.memory_space<vmem>>, vector<1x1x304x85xf32>
    %swap3A_611 = vector.shape_cast %swap3A_610 : vector<1x1x304x85xf32> to vector<304x85xf32>
    %swap3A_612 = vector.shape_cast %slice3A_605 : vector<304x85xf32> to vector<1x1x304x85xf32>
    tpu.vector_store %arg4[%swap3A_606, %swap3A_607, %swap3A_608, %swap3A_609], %swap3A_612 {strides = array<i32>} : memref<16x3x304x85xf32, #tpu.memory_space<vmem>>, vector<1x1x304x85xf32>,
    %slice3A_613 = vector.extract_strided_slice %dot_general3A_583 {offsets = [0, 128], sizes = [304, 128], strides = [1, 1]} : vector<304x384xf32> to vector<304x128xf32>
    %mul3A_614 = vector.broadcast %select_n3A : vector<1x128xf32> to vector<304x128xf32>
    %mul3A_615 = arith.mulf %slice3A_613, %mul3A_614 : vector<304x128xf32>
    %slice3A_616 = vector.extract_strided_slice %get3A_4 {offsets = [0, 128], sizes = [1, 128], strides = [1, 1]} : vector<1x384xf32> to vector<1x128xf32>
    %add3A_617 = vector.broadcast %slice3A_616 : vector<1x128xf32> to vector<304x128xf32>
    %add3A_618 = arith.addf %mul3A_615, %add3A_617 : vector<304x128xf32>
    %exp3A_619 = math.exp %add3A_618 : vector<304x128xf32>
    %add3A_620 = arith.constant 1.000000e+00 : f32
    %add3A_621 = vector.broadcast %add3A_620 : f32 to vector<304x128xf32>
    %add3A_622 = arith.addf %add3A_621, %exp3A_619 : vector<304x128xf32>
    %div3A_623 = arith.constant 1.000000e+00 : f32
    %div3A_624 = vector.broadcast %div3A_623 : f32 to vector<304x128xf32>
    %div3A_625 = arith.divf %div3A_624, %add3A_622 : vector<304x128xf32>
    %mul3A_626 = vector.broadcast %select_n3A_34 : vector<1x128xf32> to vector<304x128xf32>
    %mul3A_627 = arith.mulf %exp3A_619, %mul3A_626 : vector<304x128xf32>
    %mul3A_628 = vector.broadcast %select_n3A_18 : vector<1x128xf32> to vector<304x128xf32>
    %mul3A_629 = arith.mulf %div3A_625, %mul3A_628 : vector<304x128xf32>
    %add3A_630 = arith.addf %mul3A_629, %select_n3A_110 : vector<304x128xf32>
    %broadcast_in_dim3A_631 = vector.shape_cast %or3A : vector<1x128xi1> to vector<1x128xi1>
    %broadcast_in_dim3A_632 = vector.broadcast %broadcast_in_dim3A_631 : vector<1x128xi1> to vector<304x128xi1>
    %select_n3A_633 = arith.select %broadcast_in_dim3A_632, %mul3A_627, %add3A_630 : vector<304x128xi1>, vector<304x128xf32>
    %slice3A_634 = vector.extract_strided_slice %select_n3A_633 {offsets = [0, 0], sizes = [304, 85], strides = [1, 1]} : vector<304x128xf32> to vector<304x85xf32>
    %swap3A_635 = arith.constant 5 : index
    %swap3A_636 = arith.constant 1 : index
    %swap3A_637 = arith.constant 0 : index
    %swap3A_638 = arith.constant 0 : index
    %swap3A_639 = vector.load %arg4[%swap3A_635, %swap3A_636, %swap3A_637, %swap3A_638] : memref<16x3x304x85xf32, #tpu.memory_space<vmem>>, vector<1x1x304x85xf32>
    %swap3A_640 = vector.shape_cast %swap3A_639 : vector<1x1x304x85xf32> to vector<304x85xf32>
    %swap3A_641 = vector.shape_cast %slice3A_634 : vector<304x85xf32> to vector<1x1x304x85xf32>
    tpu.vector_store %arg4[%swap3A_635, %swap3A_636, %swap3A_637, %swap3A_638], %swap3A_641 {strides = array<i32>} : memref<16x3x304x85xf32, #tpu.memory_space<vmem>>, vector<1x1x304x85xf32>,
    %slice3A_642 = vector.extract_strided_slice %dot_general3A_583 {offsets = [0, 256], sizes = [304, 128], strides = [1, 1]} : vector<304x384xf32> to vector<304x128xf32>
    %mul3A_643 = vector.broadcast %select_n3A : vector<1x128xf32> to vector<304x128xf32>
    %mul3A_644 = arith.mulf %slice3A_642, %mul3A_643 : vector<304x128xf32>
    %slice3A_645 = vector.extract_strided_slice %get3A_4 {offsets = [0, 256], sizes = [1, 128], strides = [1, 1]} : vector<1x384xf32> to vector<1x128xf32>
    %add3A_646 = vector.broadcast %slice3A_645 : vector<1x128xf32> to vector<304x128xf32>
    %add3A_647 = arith.addf %mul3A_644, %add3A_646 : vector<304x128xf32>
    %exp3A_648 = math.exp %add3A_647 : vector<304x128xf32>
    %add3A_649 = arith.constant 1.000000e+00 : f32
    %add3A_650 = vector.broadcast %add3A_649 : f32 to vector<304x128xf32>
    %add3A_651 = arith.addf %add3A_650, %exp3A_648 : vector<304x128xf32>
    %div3A_652 = arith.constant 1.000000e+00 : f32
    %div3A_653 = vector.broadcast %div3A_652 : f32 to vector<304x128xf32>
    %div3A_654 = arith.divf %div3A_653, %add3A_651 : vector<304x128xf32>
    %mul3A_655 = vector.broadcast %select_n3A_42 : vector<1x128xf32> to vector<304x128xf32>
    %mul3A_656 = arith.mulf %exp3A_648, %mul3A_655 : vector<304x128xf32>
    %mul3A_657 = vector.broadcast %select_n3A_18 : vector<1x128xf32> to vector<304x128xf32>
    %mul3A_658 = arith.mulf %div3A_654, %mul3A_657 : vector<304x128xf32>
    %add3A_659 = arith.addf %mul3A_658, %select_n3A_110 : vector<304x128xf32>
    %broadcast_in_dim3A_660 = vector.shape_cast %or3A : vector<1x128xi1> to vector<1x128xi1>
    %broadcast_in_dim3A_661 = vector.broadcast %broadcast_in_dim3A_660 : vector<1x128xi1> to vector<304x128xi1>
    %select_n3A_662 = arith.select %broadcast_in_dim3A_661, %mul3A_656, %add3A_659 : vector<304x128xi1>, vector<304x128xf32>
    %slice3A_663 = vector.extract_strided_slice %select_n3A_662 {offsets = [0, 0], sizes = [304, 85], strides = [1, 1]} : vector<304x128xf32> to vector<304x85xf32>
    %swap3A_664 = arith.constant 5 : index
    %swap3A_665 = arith.constant 2 : index
    %swap3A_666 = arith.constant 0 : index
    %swap3A_667 = arith.constant 0 : index
    %swap3A_668 = vector.load %arg4[%swap3A_664, %swap3A_665, %swap3A_666, %swap3A_667] : memref<16x3x304x85xf32, #tpu.memory_space<vmem>>, vector<1x1x304x85xf32>
    %swap3A_669 = vector.shape_cast %swap3A_668 : vector<1x1x304x85xf32> to vector<304x85xf32>
    %swap3A_670 = vector.shape_cast %slice3A_663 : vector<304x85xf32> to vector<1x1x304x85xf32>
    tpu.vector_store %arg4[%swap3A_664, %swap3A_665, %swap3A_666, %swap3A_667], %swap3A_670 {strides = array<i32>} : memref<16x3x304x85xf32, #tpu.memory_space<vmem>>, vector<1x1x304x85xf32>,
    %get3A_671 = arith.constant 0 : index
    %get3A_672 = arith.constant 6 : index
    %get3A_673 = arith.constant 0 : index
    %get3A_674 = vector.load %arg1[%get3A_671, %get3A_672, %get3A_673] : memref<304x16x128xf32, #tpu.memory_space<vmem>>, vector<304x1x128xf32>
    %get3A_675 = vector.shape_cast %get3A_674 : vector<304x1x128xf32> to vector<304x128xf32>
    %dot_general3A_676 = arith.constant dense<0.000000e+00> : vector<304x384xf32>
    %dot_general3A_677 = tpu.matmul %get3A_675, %get3A_1, %dot_general3A_676 {dimension_numbers = #tpu.dot_dimension_numbers<[1], [1], [0], [0], [0, 0, 1, 0], [], []>, transpose_lhs_hint = false} : vector<304x128xf32>, vector<384x128xf32>, vector<304x384xf32> -> vector<304x384xf32>
    %slice3A_678 = vector.extract_strided_slice %dot_general3A_677 {offsets = [0, 0], sizes = [304, 128], strides = [1, 1]} : vector<304x384xf32> to vector<304x128xf32>
    %mul3A_679 = vector.broadcast %select_n3A : vector<1x128xf32> to vector<304x128xf32>
    %mul3A_680 = arith.mulf %slice3A_678, %mul3A_679 : vector<304x128xf32>
    %slice3A_681 = vector.extract_strided_slice %get3A_4 {offsets = [0, 0], sizes = [1, 128], strides = [1, 1]} : vector<1x384xf32> to vector<1x128xf32>
    %add3A_682 = vector.broadcast %slice3A_681 : vector<1x128xf32> to vector<304x128xf32>
    %add3A_683 = arith.addf %mul3A_680, %add3A_682 : vector<304x128xf32>
    %exp3A_684 = math.exp %add3A_683 : vector<304x128xf32>
    %add3A_685 = arith.constant 1.000000e+00 : f32
    %add3A_686 = vector.broadcast %add3A_685 : f32 to vector<304x128xf32>
    %add3A_687 = arith.addf %add3A_686, %exp3A_684 : vector<304x128xf32>
    %div3A_688 = arith.constant 1.000000e+00 : f32
    %div3A_689 = vector.broadcast %div3A_688 : f32 to vector<304x128xf32>
    %div3A_690 = arith.divf %div3A_689, %add3A_687 : vector<304x128xf32>
    %mul3A_691 = vector.broadcast %select_n3A_26 : vector<1x128xf32> to vector<304x128xf32>
    %mul3A_692 = arith.mulf %exp3A_684, %mul3A_691 : vector<304x128xf32>
    %mul3A_693 = vector.broadcast %select_n3A_18 : vector<1x128xf32> to vector<304x128xf32>
    %mul3A_694 = arith.mulf %div3A_690, %mul3A_693 : vector<304x128xf32>
    %add3A_695 = arith.addf %mul3A_694, %select_n3A_110 : vector<304x128xf32>
    %broadcast_in_dim3A_696 = vector.shape_cast %or3A : vector<1x128xi1> to vector<1x128xi1>
    %broadcast_in_dim3A_697 = vector.broadcast %broadcast_in_dim3A_696 : vector<1x128xi1> to vector<304x128xi1>
    %select_n3A_698 = arith.select %broadcast_in_dim3A_697, %mul3A_692, %add3A_695 : vector<304x128xi1>, vector<304x128xf32>
    %slice3A_699 = vector.extract_strided_slice %select_n3A_698 {offsets = [0, 0], sizes = [304, 85], strides = [1, 1]} : vector<304x128xf32> to vector<304x85xf32>
    %swap3A_700 = arith.constant 6 : index
    %swap3A_701 = arith.constant 0 : index
    %swap3A_702 = arith.constant 0 : index
    %swap3A_703 = arith.constant 0 : index
    %swap3A_704 = vector.load %arg4[%swap3A_700, %swap3A_701, %swap3A_702, %swap3A_703] : memref<16x3x304x85xf32, #tpu.memory_space<vmem>>, vector<1x1x304x85xf32>
    %swap3A_705 = vector.shape_cast %swap3A_704 : vector<1x1x304x85xf32> to vector<304x85xf32>
    %swap3A_706 = vector.shape_cast %slice3A_699 : vector<304x85xf32> to vector<1x1x304x85xf32>
    tpu.vector_store %arg4[%swap3A_700, %swap3A_701, %swap3A_702, %swap3A_703], %swap3A_706 {strides = array<i32>} : memref<16x3x304x85xf32, #tpu.memory_space<vmem>>, vector<1x1x304x85xf32>,
    %slice3A_707 = vector.extract_strided_slice %dot_general3A_677 {offsets = [0, 128], sizes = [304, 128], strides = [1, 1]} : vector<304x384xf32> to vector<304x128xf32>
    %mul3A_708 = vector.broadcast %select_n3A : vector<1x128xf32> to vector<304x128xf32>
    %mul3A_709 = arith.mulf %slice3A_707, %mul3A_708 : vector<304x128xf32>
    %slice3A_710 = vector.extract_strided_slice %get3A_4 {offsets = [0, 128], sizes = [1, 128], strides = [1, 1]} : vector<1x384xf32> to vector<1x128xf32>
    %add3A_711 = vector.broadcast %slice3A_710 : vector<1x128xf32> to vector<304x128xf32>
    %add3A_712 = arith.addf %mul3A_709, %add3A_711 : vector<304x128xf32>
    %exp3A_713 = math.exp %add3A_712 : vector<304x128xf32>
    %add3A_714 = arith.constant 1.000000e+00 : f32
    %add3A_715 = vector.broadcast %add3A_714 : f32 to vector<304x128xf32>
    %add3A_716 = arith.addf %add3A_715, %exp3A_713 : vector<304x128xf32>
    %div3A_717 = arith.constant 1.000000e+00 : f32
    %div3A_718 = vector.broadcast %div3A_717 : f32 to vector<304x128xf32>
    %div3A_719 = arith.divf %div3A_718, %add3A_716 : vector<304x128xf32>
    %mul3A_720 = vector.broadcast %select_n3A_34 : vector<1x128xf32> to vector<304x128xf32>
    %mul3A_721 = arith.mulf %exp3A_713, %mul3A_720 : vector<304x128xf32>
    %mul3A_722 = vector.broadcast %select_n3A_18 : vector<1x128xf32> to vector<304x128xf32>
    %mul3A_723 = arith.mulf %div3A_719, %mul3A_722 : vector<304x128xf32>
    %add3A_724 = arith.addf %mul3A_723, %select_n3A_110 : vector<304x128xf32>
    %broadcast_in_dim3A_725 = vector.shape_cast %or3A : vector<1x128xi1> to vector<1x128xi1>
    %broadcast_in_dim3A_726 = vector.broadcast %broadcast_in_dim3A_725 : vector<1x128xi1> to vector<304x128xi1>
    %select_n3A_727 = arith.select %broadcast_in_dim3A_726, %mul3A_721, %add3A_724 : vector<304x128xi1>, vector<304x128xf32>
    %slice3A_728 = vector.extract_strided_slice %select_n3A_727 {offsets = [0, 0], sizes = [304, 85], strides = [1, 1]} : vector<304x128xf32> to vector<304x85xf32>
    %swap3A_729 = arith.constant 6 : index
    %swap3A_730 = arith.constant 1 : index
    %swap3A_731 = arith.constant 0 : index
    %swap3A_732 = arith.constant 0 : index
    %swap3A_733 = vector.load %arg4[%swap3A_729, %swap3A_730, %swap3A_731, %swap3A_732] : memref<16x3x304x85xf32, #tpu.memory_space<vmem>>, vector<1x1x304x85xf32>
    %swap3A_734 = vector.shape_cast %swap3A_733 : vector<1x1x304x85xf32> to vector<304x85xf32>
    %swap3A_735 = vector.shape_cast %slice3A_728 : vector<304x85xf32> to vector<1x1x304x85xf32>
    tpu.vector_store %arg4[%swap3A_729, %swap3A_730, %swap3A_731, %swap3A_732], %swap3A_735 {strides = array<i32>} : memref<16x3x304x85xf32, #tpu.memory_space<vmem>>, vector<1x1x304x85xf32>,
    %slice3A_736 = vector.extract_strided_slice %dot_general3A_677 {offsets = [0, 256], sizes = [304, 128], strides = [1, 1]} : vector<304x384xf32> to vector<304x128xf32>
    %mul3A_737 = vector.broadcast %select_n3A : vector<1x128xf32> to vector<304x128xf32>
    %mul3A_738 = arith.mulf %slice3A_736, %mul3A_737 : vector<304x128xf32>
    %slice3A_739 = vector.extract_strided_slice %get3A_4 {offsets = [0, 256], sizes = [1, 128], strides = [1, 1]} : vector<1x384xf32> to vector<1x128xf32>
    %add3A_740 = vector.broadcast %slice3A_739 : vector<1x128xf32> to vector<304x128xf32>
    %add3A_741 = arith.addf %mul3A_738, %add3A_740 : vector<304x128xf32>
    %exp3A_742 = math.exp %add3A_741 : vector<304x128xf32>
    %add3A_743 = arith.constant 1.000000e+00 : f32
    %add3A_744 = vector.broadcast %add3A_743 : f32 to vector<304x128xf32>
    %add3A_745 = arith.addf %add3A_744, %exp3A_742 : vector<304x128xf32>
    %div3A_746 = arith.constant 1.000000e+00 : f32
    %div3A_747 = vector.broadcast %div3A_746 : f32 to vector<304x128xf32>
    %div3A_748 = arith.divf %div3A_747, %add3A_745 : vector<304x128xf32>
    %mul3A_749 = vector.broadcast %select_n3A_42 : vector<1x128xf32> to vector<304x128xf32>
    %mul3A_750 = arith.mulf %exp3A_742, %mul3A_749 : vector<304x128xf32>
    %mul3A_751 = vector.broadcast %select_n3A_18 : vector<1x128xf32> to vector<304x128xf32>
    %mul3A_752 = arith.mulf %div3A_748, %mul3A_751 : vector<304x128xf32>
    %add3A_753 = arith.addf %mul3A_752, %select_n3A_110 : vector<304x128xf32>
    %broadcast_in_dim3A_754 = vector.shape_cast %or3A : vector<1x128xi1> to vector<1x128xi1>
    %broadcast_in_dim3A_755 = vector.broadcast %broadcast_in_dim3A_754 : vector<1x128xi1> to vector<304x128xi1>
    %select_n3A_756 = arith.select %broadcast_in_dim3A_755, %mul3A_750, %add3A_753 : vector<304x128xi1>, vector<304x128xf32>
    %slice3A_757 = vector.extract_strided_slice %select_n3A_756 {offsets = [0, 0], sizes = [304, 85], strides = [1, 1]} : vector<304x128xf32> to vector<304x85xf32>
    %swap3A_758 = arith.constant 6 : index
    %swap3A_759 = arith.constant 2 : index
    %swap3A_760 = arith.constant 0 : index
    %swap3A_761 = arith.constant 0 : index
    %swap3A_762 = vector.load %arg4[%swap3A_758, %swap3A_759, %swap3A_760, %swap3A_761] : memref<16x3x304x85xf32, #tpu.memory_space<vmem>>, vector<1x1x304x85xf32>
    %swap3A_763 = vector.shape_cast %swap3A_762 : vector<1x1x304x85xf32> to vector<304x85xf32>
    %swap3A_764 = vector.shape_cast %slice3A_757 : vector<304x85xf32> to vector<1x1x304x85xf32>
    tpu.vector_store %arg4[%swap3A_758, %swap3A_759, %swap3A_760, %swap3A_761], %swap3A_764 {strides = array<i32>} : memref<16x3x304x85xf32, #tpu.memory_space<vmem>>, vector<1x1x304x85xf32>,
    %get3A_765 = arith.constant 0 : index
    %get3A_766 = arith.constant 7 : index
    %get3A_767 = arith.constant 0 : index
    %get3A_768 = vector.load %arg1[%get3A_765, %get3A_766, %get3A_767] : memref<304x16x128xf32, #tpu.memory_space<vmem>>, vector<304x1x128xf32>
    %get3A_769 = vector.shape_cast %get3A_768 : vector<304x1x128xf32> to vector<304x128xf32>
    %dot_general3A_770 = arith.constant dense<0.000000e+00> : vector<304x384xf32>
    %dot_general3A_771 = tpu.matmul %get3A_769, %get3A_1, %dot_general3A_770 {dimension_numbers = #tpu.dot_dimension_numbers<[1], [1], [0], [0], [0, 0, 1, 0], [], []>, transpose_lhs_hint = false} : vector<304x128xf32>, vector<384x128xf32>, vector<304x384xf32> -> vector<304x384xf32>
    %slice3A_772 = vector.extract_strided_slice %dot_general3A_771 {offsets = [0, 0], sizes = [304, 128], strides = [1, 1]} : vector<304x384xf32> to vector<304x128xf32>
    %mul3A_773 = vector.broadcast %select_n3A : vector<1x128xf32> to vector<304x128xf32>
    %mul3A_774 = arith.mulf %slice3A_772, %mul3A_773 : vector<304x128xf32>
    %slice3A_775 = vector.extract_strided_slice %get3A_4 {offsets = [0, 0], sizes = [1, 128], strides = [1, 1]} : vector<1x384xf32> to vector<1x128xf32>
    %add3A_776 = vector.broadcast %slice3A_775 : vector<1x128xf32> to vector<304x128xf32>
    %add3A_777 = arith.addf %mul3A_774, %add3A_776 : vector<304x128xf32>
    %exp3A_778 = math.exp %add3A_777 : vector<304x128xf32>
    %add3A_779 = arith.constant 1.000000e+00 : f32
    %add3A_780 = vector.broadcast %add3A_779 : f32 to vector<304x128xf32>
    %add3A_781 = arith.addf %add3A_780, %exp3A_778 : vector<304x128xf32>
    %div3A_782 = arith.constant 1.000000e+00 : f32
    %div3A_783 = vector.broadcast %div3A_782 : f32 to vector<304x128xf32>
    %div3A_784 = arith.divf %div3A_783, %add3A_781 : vector<304x128xf32>
    %mul3A_785 = vector.broadcast %select_n3A_26 : vector<1x128xf32> to vector<304x128xf32>
    %mul3A_786 = arith.mulf %exp3A_778, %mul3A_785 : vector<304x128xf32>
    %mul3A_787 = vector.broadcast %select_n3A_18 : vector<1x128xf32> to vector<304x128xf32>
    %mul3A_788 = arith.mulf %div3A_784, %mul3A_787 : vector<304x128xf32>
    %add3A_789 = arith.addf %mul3A_788, %select_n3A_110 : vector<304x128xf32>
    %broadcast_in_dim3A_790 = vector.shape_cast %or3A : vector<1x128xi1> to vector<1x128xi1>
    %broadcast_in_dim3A_791 = vector.broadcast %broadcast_in_dim3A_790 : vector<1x128xi1> to vector<304x128xi1>
    %select_n3A_792 = arith.select %broadcast_in_dim3A_791, %mul3A_786, %add3A_789 : vector<304x128xi1>, vector<304x128xf32>
    %slice3A_793 = vector.extract_strided_slice %select_n3A_792 {offsets = [0, 0], sizes = [304, 85], strides = [1, 1]} : vector<304x128xf32> to vector<304x85xf32>
    %swap3A_794 = arith.constant 7 : index
    %swap3A_795 = arith.constant 0 : index
    %swap3A_796 = arith.constant 0 : index
    %swap3A_797 = arith.constant 0 : index
    %swap3A_798 = vector.load %arg4[%swap3A_794, %swap3A_795, %swap3A_796, %swap3A_797] : memref<16x3x304x85xf32, #tpu.memory_space<vmem>>, vector<1x1x304x85xf32>
    %swap3A_799 = vector.shape_cast %swap3A_798 : vector<1x1x304x85xf32> to vector<304x85xf32>
    %swap3A_800 = vector.shape_cast %slice3A_793 : vector<304x85xf32> to vector<1x1x304x85xf32>
    tpu.vector_store %arg4[%swap3A_794, %swap3A_795, %swap3A_796, %swap3A_797], %swap3A_800 {strides = array<i32>} : memref<16x3x304x85xf32, #tpu.memory_space<vmem>>, vector<1x1x304x85xf32>,
    %slice3A_801 = vector.extract_strided_slice %dot_general3A_771 {offsets = [0, 128], sizes = [304, 128], strides = [1, 1]} : vector<304x384xf32> to vector<304x128xf32>
    %mul3A_802 = vector.broadcast %select_n3A : vector<1x128xf32> to vector<304x128xf32>
    %mul3A_803 = arith.mulf %slice3A_801, %mul3A_802 : vector<304x128xf32>
    %slice3A_804 = vector.extract_strided_slice %get3A_4 {offsets = [0, 128], sizes = [1, 128], strides = [1, 1]} : vector<1x384xf32> to vector<1x128xf32>
    %add3A_805 = vector.broadcast %slice3A_804 : vector<1x128xf32> to vector<304x128xf32>
    %add3A_806 = arith.addf %mul3A_803, %add3A_805 : vector<304x128xf32>
    %exp3A_807 = math.exp %add3A_806 : vector<304x128xf32>
    %add3A_808 = arith.constant 1.000000e+00 : f32
    %add3A_809 = vector.broadcast %add3A_808 : f32 to vector<304x128xf32>
    %add3A_810 = arith.addf %add3A_809, %exp3A_807 : vector<304x128xf32>
    %div3A_811 = arith.constant 1.000000e+00 : f32
    %div3A_812 = vector.broadcast %div3A_811 : f32 to vector<304x128xf32>
    %div3A_813 = arith.divf %div3A_812, %add3A_810 : vector<304x128xf32>
    %mul3A_814 = vector.broadcast %select_n3A_34 : vector<1x128xf32> to vector<304x128xf32>
    %mul3A_815 = arith.mulf %exp3A_807, %mul3A_814 : vector<304x128xf32>
    %mul3A_816 = vector.broadcast %select_n3A_18 : vector<1x128xf32> to vector<304x128xf32>
    %mul3A_817 = arith.mulf %div3A_813, %mul3A_816 : vector<304x128xf32>
    %add3A_818 = arith.addf %mul3A_817, %select_n3A_110 : vector<304x128xf32>
    %broadcast_in_dim3A_819 = vector.shape_cast %or3A : vector<1x128xi1> to vector<1x128xi1>
    %broadcast_in_dim3A_820 = vector.broadcast %broadcast_in_dim3A_819 : vector<1x128xi1> to vector<304x128xi1>
    %select_n3A_821 = arith.select %broadcast_in_dim3A_820, %mul3A_815, %add3A_818 : vector<304x128xi1>, vector<304x128xf32>
    %slice3A_822 = vector.extract_strided_slice %select_n3A_821 {offsets = [0, 0], sizes = [304, 85], strides = [1, 1]} : vector<304x128xf32> to vector<304x85xf32>
    %swap3A_823 = arith.constant 7 : index
    %swap3A_824 = arith.constant 1 : index
    %swap3A_825 = arith.constant 0 : index
    %swap3A_826 = arith.constant 0 : index
    %swap3A_827 = vector.load %arg4[%swap3A_823, %swap3A_824, %swap3A_825, %swap3A_826] : memref<16x3x304x85xf32, #tpu.memory_space<vmem>>, vector<1x1x304x85xf32>
    %swap3A_828 = vector.shape_cast %swap3A_827 : vector<1x1x304x85xf32> to vector<304x85xf32>
    %swap3A_829 = vector.shape_cast %slice3A_822 : vector<304x85xf32> to vector<1x1x304x85xf32>
    tpu.vector_store %arg4[%swap3A_823, %swap3A_824, %swap3A_825, %swap3A_826], %swap3A_829 {strides = array<i32>} : memref<16x3x304x85xf32, #tpu.memory_space<vmem>>, vector<1x1x304x85xf32>,
    %slice3A_830 = vector.extract_strided_slice %dot_general3A_771 {offsets = [0, 256], sizes = [304, 128], strides = [1, 1]} : vector<304x384xf32> to vector<304x128xf32>
    %mul3A_831 = vector.broadcast %select_n3A : vector<1x128xf32> to vector<304x128xf32>
    %mul3A_832 = arith.mulf %slice3A_830, %mul3A_831 : vector<304x128xf32>
    %slice3A_833 = vector.extract_strided_slice %get3A_4 {offsets = [0, 256], sizes = [1, 128], strides = [1, 1]} : vector<1x384xf32> to vector<1x128xf32>
    %add3A_834 = vector.broadcast %slice3A_833 : vector<1x128xf32> to vector<304x128xf32>
    %add3A_835 = arith.addf %mul3A_832, %add3A_834 : vector<304x128xf32>
    %exp3A_836 = math.exp %add3A_835 : vector<304x128xf32>
    %add3A_837 = arith.constant 1.000000e+00 : f32
    %add3A_838 = vector.broadcast %add3A_837 : f32 to vector<304x128xf32>
    %add3A_839 = arith.addf %add3A_838, %exp3A_836 : vector<304x128xf32>
    %div3A_840 = arith.constant 1.000000e+00 : f32
    %div3A_841 = vector.broadcast %div3A_840 : f32 to vector<304x128xf32>
    %div3A_842 = arith.divf %div3A_841, %add3A_839 : vector<304x128xf32>
    %mul3A_843 = vector.broadcast %select_n3A_42 : vector<1x128xf32> to vector<304x128xf32>
    %mul3A_844 = arith.mulf %exp3A_836, %mul3A_843 : vector<304x128xf32>
    %mul3A_845 = vector.broadcast %select_n3A_18 : vector<1x128xf32> to vector<304x128xf32>
    %mul3A_846 = arith.mulf %div3A_842, %mul3A_845 : vector<304x128xf32>
    %add3A_847 = arith.addf %mul3A_846, %select_n3A_110 : vector<304x128xf32>
    %broadcast_in_dim3A_848 = vector.shape_cast %or3A : vector<1x128xi1> to vector<1x128xi1>
    %broadcast_in_dim3A_849 = vector.broadcast %broadcast_in_dim3A_848 : vector<1x128xi1> to vector<304x128xi1>
    %select_n3A_850 = arith.select %broadcast_in_dim3A_849, %mul3A_844, %add3A_847 : vector<304x128xi1>, vector<304x128xf32>
    %slice3A_851 = vector.extract_strided_slice %select_n3A_850 {offsets = [0, 0], sizes = [304, 85], strides = [1, 1]} : vector<304x128xf32> to vector<304x85xf32>
    %swap3A_852 = arith.constant 7 : index
    %swap3A_853 = arith.constant 2 : index
    %swap3A_854 = arith.constant 0 : index
    %swap3A_855 = arith.constant 0 : index
    %swap3A_856 = vector.load %arg4[%swap3A_852, %swap3A_853, %swap3A_854, %swap3A_855] : memref<16x3x304x85xf32, #tpu.memory_space<vmem>>, vector<1x1x304x85xf32>
    %swap3A_857 = vector.shape_cast %swap3A_856 : vector<1x1x304x85xf32> to vector<304x85xf32>
    %swap3A_858 = vector.shape_cast %slice3A_851 : vector<304x85xf32> to vector<1x1x304x85xf32>
    tpu.vector_store %arg4[%swap3A_852, %swap3A_853, %swap3A_854, %swap3A_855], %swap3A_858 {strides = array<i32>} : memref<16x3x304x85xf32, #tpu.memory_space<vmem>>, vector<1x1x304x85xf32>,
    %get3A_859 = arith.constant 0 : index
    %get3A_860 = arith.constant 8 : index
    %get3A_861 = arith.constant 0 : index
    %get3A_862 = vector.load %arg1[%get3A_859, %get3A_860, %get3A_861] : memref<304x16x128xf32, #tpu.memory_space<vmem>>, vector<304x1x128xf32>
    %get3A_863 = vector.shape_cast %get3A_862 : vector<304x1x128xf32> to vector<304x128xf32>
    %dot_general3A_864 = arith.constant dense<0.000000e+00> : vector<304x384xf32>
    %dot_general3A_865 = tpu.matmul %get3A_863, %get3A_1, %dot_general3A_864 {dimension_numbers = #tpu.dot_dimension_numbers<[1], [1], [0], [0], [0, 0, 1, 0], [], []>, transpose_lhs_hint = false} : vector<304x128xf32>, vector<384x128xf32>, vector<304x384xf32> -> vector<304x384xf32>
    %slice3A_866 = vector.extract_strided_slice %dot_general3A_865 {offsets = [0, 0], sizes = [304, 128], strides = [1, 1]} : vector<304x384xf32> to vector<304x128xf32>
    %mul3A_867 = vector.broadcast %select_n3A : vector<1x128xf32> to vector<304x128xf32>
    %mul3A_868 = arith.mulf %slice3A_866, %mul3A_867 : vector<304x128xf32>
    %slice3A_869 = vector.extract_strided_slice %get3A_4 {offsets = [0, 0], sizes = [1, 128], strides = [1, 1]} : vector<1x384xf32> to vector<1x128xf32>
    %add3A_870 = vector.broadcast %slice3A_869 : vector<1x128xf32> to vector<304x128xf32>
    %add3A_871 = arith.addf %mul3A_868, %add3A_870 : vector<304x128xf32>
    %exp3A_872 = math.exp %add3A_871 : vector<304x128xf32>
    %add3A_873 = arith.constant 1.000000e+00 : f32
    %add3A_874 = vector.broadcast %add3A_873 : f32 to vector<304x128xf32>
    %add3A_875 = arith.addf %add3A_874, %exp3A_872 : vector<304x128xf32>
    %div3A_876 = arith.constant 1.000000e+00 : f32
    %div3A_877 = vector.broadcast %div3A_876 : f32 to vector<304x128xf32>
    %div3A_878 = arith.divf %div3A_877, %add3A_875 : vector<304x128xf32>
    %mul3A_879 = vector.broadcast %select_n3A_26 : vector<1x128xf32> to vector<304x128xf32>
    %mul3A_880 = arith.mulf %exp3A_872, %mul3A_879 : vector<304x128xf32>
    %mul3A_881 = vector.broadcast %select_n3A_18 : vector<1x128xf32> to vector<304x128xf32>
    %mul3A_882 = arith.mulf %div3A_878, %mul3A_881 : vector<304x128xf32>
    %add3A_883 = arith.addf %mul3A_882, %select_n3A_110 : vector<304x128xf32>
    %broadcast_in_dim3A_884 = vector.shape_cast %or3A : vector<1x128xi1> to vector<1x128xi1>
    %broadcast_in_dim3A_885 = vector.broadcast %broadcast_in_dim3A_884 : vector<1x128xi1> to vector<304x128xi1>
    %select_n3A_886 = arith.select %broadcast_in_dim3A_885, %mul3A_880, %add3A_883 : vector<304x128xi1>, vector<304x128xf32>
    %slice3A_887 = vector.extract_strided_slice %select_n3A_886 {offsets = [0, 0], sizes = [304, 85], strides = [1, 1]} : vector<304x128xf32> to vector<304x85xf32>
    %swap3A_888 = arith.constant 8 : index
    %swap3A_889 = arith.constant 0 : index
    %swap3A_890 = arith.constant 0 : index
    %swap3A_891 = arith.constant 0 : index
    %swap3A_892 = vector.load %arg4[%swap3A_888, %swap3A_889, %swap3A_890, %swap3A_891] : memref<16x3x304x85xf32, #tpu.memory_space<vmem>>, vector<1x1x304x85xf32>
    %swap3A_893 = vector.shape_cast %swap3A_892 : vector<1x1x304x85xf32> to vector<304x85xf32>
    %swap3A_894 = vector.shape_cast %slice3A_887 : vector<304x85xf32> to vector<1x1x304x85xf32>
    tpu.vector_store %arg4[%swap3A_888, %swap3A_889, %swap3A_890, %swap3A_891], %swap3A_894 {strides = array<i32>} : memref<16x3x304x85xf32, #tpu.memory_space<vmem>>, vector<1x1x304x85xf32>,
    %slice3A_895 = vector.extract_strided_slice %dot_general3A_865 {offsets = [0, 128], sizes = [304, 128], strides = [1, 1]} : vector<304x384xf32> to vector<304x128xf32>
    %mul3A_896 = vector.broadcast %select_n3A : vector<1x128xf32> to vector<304x128xf32>
    %mul3A_897 = arith.mulf %slice3A_895, %mul3A_896 : vector<304x128xf32>
    %slice3A_898 = vector.extract_strided_slice %get3A_4 {offsets = [0, 128], sizes = [1, 128], strides = [1, 1]} : vector<1x384xf32> to vector<1x128xf32>
    %add3A_899 = vector.broadcast %slice3A_898 : vector<1x128xf32> to vector<304x128xf32>
    %add3A_900 = arith.addf %mul3A_897, %add3A_899 : vector<304x128xf32>
    %exp3A_901 = math.exp %add3A_900 : vector<304x128xf32>
    %add3A_902 = arith.constant 1.000000e+00 : f32
    %add3A_903 = vector.broadcast %add3A_902 : f32 to vector<304x128xf32>
    %add3A_904 = arith.addf %add3A_903, %exp3A_901 : vector<304x128xf32>
    %div3A_905 = arith.constant 1.000000e+00 : f32
    %div3A_906 = vector.broadcast %div3A_905 : f32 to vector<304x128xf32>
    %div3A_907 = arith.divf %div3A_906, %add3A_904 : vector<304x128xf32>
    %mul3A_908 = vector.broadcast %select_n3A_34 : vector<1x128xf32> to vector<304x128xf32>
    %mul3A_909 = arith.mulf %exp3A_901, %mul3A_908 : vector<304x128xf32>
    %mul3A_910 = vector.broadcast %select_n3A_18 : vector<1x128xf32> to vector<304x128xf32>
    %mul3A_911 = arith.mulf %div3A_907, %mul3A_910 : vector<304x128xf32>
    %add3A_912 = arith.addf %mul3A_911, %select_n3A_110 : vector<304x128xf32>
    %broadcast_in_dim3A_913 = vector.shape_cast %or3A : vector<1x128xi1> to vector<1x128xi1>
    %broadcast_in_dim3A_914 = vector.broadcast %broadcast_in_dim3A_913 : vector<1x128xi1> to vector<304x128xi1>
    %select_n3A_915 = arith.select %broadcast_in_dim3A_914, %mul3A_909, %add3A_912 : vector<304x128xi1>, vector<304x128xf32>
    %slice3A_916 = vector.extract_strided_slice %select_n3A_915 {offsets = [0, 0], sizes = [304, 85], strides = [1, 1]} : vector<304x128xf32> to vector<304x85xf32>
    %swap3A_917 = arith.constant 8 : index
    %swap3A_918 = arith.constant 1 : index
    %swap3A_919 = arith.constant 0 : index
    %swap3A_920 = arith.constant 0 : index
    %swap3A_921 = vector.load %arg4[%swap3A_917, %swap3A_918, %swap3A_919, %swap3A_920] : memref<16x3x304x85xf32, #tpu.memory_space<vmem>>, vector<1x1x304x85xf32>
    %swap3A_922 = vector.shape_cast %swap3A_921 : vector<1x1x304x85xf32> to vector<304x85xf32>
    %swap3A_923 = vector.shape_cast %slice3A_916 : vector<304x85xf32> to vector<1x1x304x85xf32>
    tpu.vector_store %arg4[%swap3A_917, %swap3A_918, %swap3A_919, %swap3A_920], %swap3A_923 {strides = array<i32>} : memref<16x3x304x85xf32, #tpu.memory_space<vmem>>, vector<1x1x304x85xf32>,
    %slice3A_924 = vector.extract_strided_slice %dot_general3A_865 {offsets = [0, 256], sizes = [304, 128], strides = [1, 1]} : vector<304x384xf32> to vector<304x128xf32>
    %mul3A_925 = vector.broadcast %select_n3A : vector<1x128xf32> to vector<304x128xf32>
    %mul3A_926 = arith.mulf %slice3A_924, %mul3A_925 : vector<304x128xf32>
    %slice3A_927 = vector.extract_strided_slice %get3A_4 {offsets = [0, 256], sizes = [1, 128], strides = [1, 1]} : vector<1x384xf32> to vector<1x128xf32>
    %add3A_928 = vector.broadcast %slice3A_927 : vector<1x128xf32> to vector<304x128xf32>
    %add3A_929 = arith.addf %mul3A_926, %add3A_928 : vector<304x128xf32>
    %exp3A_930 = math.exp %add3A_929 : vector<304x128xf32>
    %add3A_931 = arith.constant 1.000000e+00 : f32
    %add3A_932 = vector.broadcast %add3A_931 : f32 to vector<304x128xf32>
    %add3A_933 = arith.addf %add3A_932, %exp3A_930 : vector<304x128xf32>
    %div3A_934 = arith.constant 1.000000e+00 : f32
    %div3A_935 = vector.broadcast %div3A_934 : f32 to vector<304x128xf32>
    %div3A_936 = arith.divf %div3A_935, %add3A_933 : vector<304x128xf32>
    %mul3A_937 = vector.broadcast %select_n3A_42 : vector<1x128xf32> to vector<304x128xf32>
    %mul3A_938 = arith.mulf %exp3A_930, %mul3A_937 : vector<304x128xf32>
    %mul3A_939 = vector.broadcast %select_n3A_18 : vector<1x128xf32> to vector<304x128xf32>
    %mul3A_940 = arith.mulf %div3A_936, %mul3A_939 : vector<304x128xf32>
    %add3A_941 = arith.addf %mul3A_940, %select_n3A_110 : vector<304x128xf32>
    %broadcast_in_dim3A_942 = vector.shape_cast %or3A : vector<1x128xi1> to vector<1x128xi1>
    %broadcast_in_dim3A_943 = vector.broadcast %broadcast_in_dim3A_942 : vector<1x128xi1> to vector<304x128xi1>
    %select_n3A_944 = arith.select %broadcast_in_dim3A_943, %mul3A_938, %add3A_941 : vector<304x128xi1>, vector<304x128xf32>
    %slice3A_945 = vector.extract_strided_slice %select_n3A_944 {offsets = [0, 0], sizes = [304, 85], strides = [1, 1]} : vector<304x128xf32> to vector<304x85xf32>
    %swap3A_946 = arith.constant 8 : index
    %swap3A_947 = arith.constant 2 : index
    %swap3A_948 = arith.constant 0 : index
    %swap3A_949 = arith.constant 0 : index
    %swap3A_950 = vector.load %arg4[%swap3A_946, %swap3A_947, %swap3A_948, %swap3A_949] : memref<16x3x304x85xf32, #tpu.memory_space<vmem>>, vector<1x1x304x85xf32>
    %swap3A_951 = vector.shape_cast %swap3A_950 : vector<1x1x304x85xf32> to vector<304x85xf32>
    %swap3A_952 = vector.shape_cast %slice3A_945 : vector<304x85xf32> to vector<1x1x304x85xf32>
    tpu.vector_store %arg4[%swap3A_946, %swap3A_947, %swap3A_948, %swap3A_949], %swap3A_952 {strides = array<i32>} : memref<16x3x304x85xf32, #tpu.memory_space<vmem>>, vector<1x1x304x85xf32>,
    %get3A_953 = arith.constant 0 : index
    %get3A_954 = arith.constant 9 : index
    %get3A_955 = arith.constant 0 : index
    %get3A_956 = vector.load %arg1[%get3A_953, %get3A_954, %get3A_955] : memref<304x16x128xf32, #tpu.memory_space<vmem>>, vector<304x1x128xf32>
    %get3A_957 = vector.shape_cast %get3A_956 : vector<304x1x128xf32> to vector<304x128xf32>
    %dot_general3A_958 = arith.constant dense<0.000000e+00> : vector<304x384xf32>
    %dot_general3A_959 = tpu.matmul %get3A_957, %get3A_1, %dot_general3A_958 {dimension_numbers = #tpu.dot_dimension_numbers<[1], [1], [0], [0], [0, 0, 1, 0], [], []>, transpose_lhs_hint = false} : vector<304x128xf32>, vector<384x128xf32>, vector<304x384xf32> -> vector<304x384xf32>
    %slice3A_960 = vector.extract_strided_slice %dot_general3A_959 {offsets = [0, 0], sizes = [304, 128], strides = [1, 1]} : vector<304x384xf32> to vector<304x128xf32>
    %mul3A_961 = vector.broadcast %select_n3A : vector<1x128xf32> to vector<304x128xf32>
    %mul3A_962 = arith.mulf %slice3A_960, %mul3A_961 : vector<304x128xf32>
    %slice3A_963 = vector.extract_strided_slice %get3A_4 {offsets = [0, 0], sizes = [1, 128], strides = [1, 1]} : vector<1x384xf32> to vector<1x128xf32>
    %add3A_964 = vector.broadcast %slice3A_963 : vector<1x128xf32> to vector<304x128xf32>
    %add3A_965 = arith.addf %mul3A_962, %add3A_964 : vector<304x128xf32>
    %exp3A_966 = math.exp %add3A_965 : vector<304x128xf32>
    %add3A_967 = arith.constant 1.000000e+00 : f32
    %add3A_968 = vector.broadcast %add3A_967 : f32 to vector<304x128xf32>
    %add3A_969 = arith.addf %add3A_968, %exp3A_966 : vector<304x128xf32>
    %div3A_970 = arith.constant 1.000000e+00 : f32
    %div3A_971 = vector.broadcast %div3A_970 : f32 to vector<304x128xf32>
    %div3A_972 = arith.divf %div3A_971, %add3A_969 : vector<304x128xf32>
    %mul3A_973 = vector.broadcast %select_n3A_26 : vector<1x128xf32> to vector<304x128xf32>
    %mul3A_974 = arith.mulf %exp3A_966, %mul3A_973 : vector<304x128xf32>
    %mul3A_975 = vector.broadcast %select_n3A_18 : vector<1x128xf32> to vector<304x128xf32>
    %mul3A_976 = arith.mulf %div3A_972, %mul3A_975 : vector<304x128xf32>
    %add3A_977 = arith.addf %mul3A_976, %select_n3A_110 : vector<304x128xf32>
    %broadcast_in_dim3A_978 = vector.shape_cast %or3A : vector<1x128xi1> to vector<1x128xi1>
    %broadcast_in_dim3A_979 = vector.broadcast %broadcast_in_dim3A_978 : vector<1x128xi1> to vector<304x128xi1>
    %select_n3A_980 = arith.select %broadcast_in_dim3A_979, %mul3A_974, %add3A_977 : vector<304x128xi1>, vector<304x128xf32>
    %slice3A_981 = vector.extract_strided_slice %select_n3A_980 {offsets = [0, 0], sizes = [304, 85], strides = [1, 1]} : vector<304x128xf32> to vector<304x85xf32>
    %swap3A_982 = arith.constant 9 : index
    %swap3A_983 = arith.constant 0 : index
    %swap3A_984 = arith.constant 0 : index
    %swap3A_985 = arith.constant 0 : index
    %swap3A_986 = vector.load %arg4[%swap3A_982, %swap3A_983, %swap3A_984, %swap3A_985] : memref<16x3x304x85xf32, #tpu.memory_space<vmem>>, vector<1x1x304x85xf32>
    %swap3A_987 = vector.shape_cast %swap3A_986 : vector<1x1x304x85xf32> to vector<304x85xf32>
    %swap3A_988 = vector.shape_cast %slice3A_981 : vector<304x85xf32> to vector<1x1x304x85xf32>
    tpu.vector_store %arg4[%swap3A_982, %swap3A_983, %swap3A_984, %swap3A_985], %swap3A_988 {strides = array<i32>} : memref<16x3x304x85xf32, #tpu.memory_space<vmem>>, vector<1x1x304x85xf32>,
    %slice3A_989 = vector.extract_strided_slice %dot_general3A_959 {offsets = [0, 128], sizes = [304, 128], strides = [1, 1]} : vector<304x384xf32> to vector<304x128xf32>
    %mul3A_990 = vector.broadcast %select_n3A : vector<1x128xf32> to vector<304x128xf32>
    %mul3A_991 = arith.mulf %slice3A_989, %mul3A_990 : vector<304x128xf32>
    %slice3A_992 = vector.extract_strided_slice %get3A_4 {offsets = [0, 128], sizes = [1, 128], strides = [1, 1]} : vector<1x384xf32> to vector<1x128xf32>
    %add3A_993 = vector.broadcast %slice3A_992 : vector<1x128xf32> to vector<304x128xf32>
    %add3A_994 = arith.addf %mul3A_991, %add3A_993 : vector<304x128xf32>
    %exp3A_995 = math.exp %add3A_994 : vector<304x128xf32>
    %add3A_996 = arith.constant 1.000000e+00 : f32
    %add3A_997 = vector.broadcast %add3A_996 : f32 to vector<304x128xf32>
    %add3A_998 = arith.addf %add3A_997, %exp3A_995 : vector<304x128xf32>
    %div3A_999 = arith.constant 1.000000e+00 : f32
    %div3A_1000 = vector.broadcast %div3A_999 : f32 to vector<304x128xf32>
    %div3A_1001 = arith.divf %div3A_1000, %add3A_998 : vector<304x128xf32>
    %mul3A_1002 = vector.broadcast %select_n3A_34 : vector<1x128xf32> to vector<304x128xf32>
    %mul3A_1003 = arith.mulf %exp3A_995, %mul3A_1002 : vector<304x128xf32>
    %mul3A_1004 = vector.broadcast %select_n3A_18 : vector<1x128xf32> to vector<304x128xf32>
    %mul3A_1005 = arith.mulf %div3A_1001, %mul3A_1004 : vector<304x128xf32>
    %add3A_1006 = arith.addf %mul3A_1005, %select_n3A_110 : vector<304x128xf32>
    %broadcast_in_dim3A_1007 = vector.shape_cast %or3A : vector<1x128xi1> to vector<1x128xi1>
    %broadcast_in_dim3A_1008 = vector.broadcast %broadcast_in_dim3A_1007 : vector<1x128xi1> to vector<304x128xi1>
    %select_n3A_1009 = arith.select %broadcast_in_dim3A_1008, %mul3A_1003, %add3A_1006 : vector<304x128xi1>, vector<304x128xf32>
    %slice3A_1010 = vector.extract_strided_slice %select_n3A_1009 {offsets = [0, 0], sizes = [304, 85], strides = [1, 1]} : vector<304x128xf32> to vector<304x85xf32>
    %swap3A_1011 = arith.constant 9 : index
    %swap3A_1012 = arith.constant 1 : index
    %swap3A_1013 = arith.constant 0 : index
    %swap3A_1014 = arith.constant 0 : index
    %swap3A_1015 = vector.load %arg4[%swap3A_1011, %swap3A_1012, %swap3A_1013, %swap3A_1014] : memref<16x3x304x85xf32, #tpu.memory_space<vmem>>, vector<1x1x304x85xf32>
    %swap3A_1016 = vector.shape_cast %swap3A_1015 : vector<1x1x304x85xf32> to vector<304x85xf32>
    %swap3A_1017 = vector.shape_cast %slice3A_1010 : vector<304x85xf32> to vector<1x1x304x85xf32>
    tpu.vector_store %arg4[%swap3A_1011, %swap3A_1012, %swap3A_1013, %swap3A_1014], %swap3A_1017 {strides = array<i32>} : memref<16x3x304x85xf32, #tpu.memory_space<vmem>>, vector<1x1x304x85xf32>,
    %slice3A_1018 = vector.extract_strided_slice %dot_general3A_959 {offsets = [0, 256], sizes = [304, 128], strides = [1, 1]} : vector<304x384xf32> to vector<304x128xf32>
    %mul3A_1019 = vector.broadcast %select_n3A : vector<1x128xf32> to vector<304x128xf32>
    %mul3A_1020 = arith.mulf %slice3A_1018, %mul3A_1019 : vector<304x128xf32>
    %slice3A_1021 = vector.extract_strided_slice %get3A_4 {offsets = [0, 256], sizes = [1, 128], strides = [1, 1]} : vector<1x384xf32> to vector<1x128xf32>
    %add3A_1022 = vector.broadcast %slice3A_1021 : vector<1x128xf32> to vector<304x128xf32>
    %add3A_1023 = arith.addf %mul3A_1020, %add3A_1022 : vector<304x128xf32>
    %exp3A_1024 = math.exp %add3A_1023 : vector<304x128xf32>
    %add3A_1025 = arith.constant 1.000000e+00 : f32
    %add3A_1026 = vector.broadcast %add3A_1025 : f32 to vector<304x128xf32>
    %add3A_1027 = arith.addf %add3A_1026, %exp3A_1024 : vector<304x128xf32>
    %div3A_1028 = arith.constant 1.000000e+00 : f32
    %div3A_1029 = vector.broadcast %div3A_1028 : f32 to vector<304x128xf32>
    %div3A_1030 = arith.divf %div3A_1029, %add3A_1027 : vector<304x128xf32>
    %mul3A_1031 = vector.broadcast %select_n3A_42 : vector<1x128xf32> to vector<304x128xf32>
    %mul3A_1032 = arith.mulf %exp3A_1024, %mul3A_1031 : vector<304x128xf32>
    %mul3A_1033 = vector.broadcast %select_n3A_18 : vector<1x128xf32> to vector<304x128xf32>
    %mul3A_1034 = arith.mulf %div3A_1030, %mul3A_1033 : vector<304x128xf32>
    %add3A_1035 = arith.addf %mul3A_1034, %select_n3A_110 : vector<304x128xf32>
    %broadcast_in_dim3A_1036 = vector.shape_cast %or3A : vector<1x128xi1> to vector<1x128xi1>
    %broadcast_in_dim3A_1037 = vector.broadcast %broadcast_in_dim3A_1036 : vector<1x128xi1> to vector<304x128xi1>
    %select_n3A_1038 = arith.select %broadcast_in_dim3A_1037, %mul3A_1032, %add3A_1035 : vector<304x128xi1>, vector<304x128xf32>
    %slice3A_1039 = vector.extract_strided_slice %select_n3A_1038 {offsets = [0, 0], sizes = [304, 85], strides = [1, 1]} : vector<304x128xf32> to vector<304x85xf32>
    %swap3A_1040 = arith.constant 9 : index
    %swap3A_1041 = arith.constant 2 : index
    %swap3A_1042 = arith.constant 0 : index
    %swap3A_1043 = arith.constant 0 : index
    %swap3A_1044 = vector.load %arg4[%swap3A_1040, %swap3A_1041, %swap3A_1042, %swap3A_1043] : memref<16x3x304x85xf32, #tpu.memory_space<vmem>>, vector<1x1x304x85xf32>
    %swap3A_1045 = vector.shape_cast %swap3A_1044 : vector<1x1x304x85xf32> to vector<304x85xf32>
    %swap3A_1046 = vector.shape_cast %slice3A_1039 : vector<304x85xf32> to vector<1x1x304x85xf32>
    tpu.vector_store %arg4[%swap3A_1040, %swap3A_1041, %swap3A_1042, %swap3A_1043], %swap3A_1046 {strides = array<i32>} : memref<16x3x304x85xf32, #tpu.memory_space<vmem>>, vector<1x1x304x85xf32>,
    %get3A_1047 = arith.constant 0 : index
    %get3A_1048 = arith.constant 10 : index
    %get3A_1049 = arith.constant 0 : index
    %get3A_1050 = vector.load %arg1[%get3A_1047, %get3A_1048, %get3A_1049] : memref<304x16x128xf32, #tpu.memory_space<vmem>>, vector<304x1x128xf32>
    %get3A_1051 = vector.shape_cast %get3A_1050 : vector<304x1x128xf32> to vector<304x128xf32>
    %dot_general3A_1052 = arith.constant dense<0.000000e+00> : vector<304x384xf32>
    %dot_general3A_1053 = tpu.matmul %get3A_1051, %get3A_1, %dot_general3A_1052 {dimension_numbers = #tpu.dot_dimension_numbers<[1], [1], [0], [0], [0, 0, 1, 0], [], []>, transpose_lhs_hint = false} : vector<304x128xf32>, vector<384x128xf32>, vector<304x384xf32> -> vector<304x384xf32>
    %slice3A_1054 = vector.extract_strided_slice %dot_general3A_1053 {offsets = [0, 0], sizes = [304, 128], strides = [1, 1]} : vector<304x384xf32> to vector<304x128xf32>
    %mul3A_1055 = vector.broadcast %select_n3A : vector<1x128xf32> to vector<304x128xf32>
    %mul3A_1056 = arith.mulf %slice3A_1054, %mul3A_1055 : vector<304x128xf32>
    %slice3A_1057 = vector.extract_strided_slice %get3A_4 {offsets = [0, 0], sizes = [1, 128], strides = [1, 1]} : vector<1x384xf32> to vector<1x128xf32>
    %add3A_1058 = vector.broadcast %slice3A_1057 : vector<1x128xf32> to vector<304x128xf32>
    %add3A_1059 = arith.addf %mul3A_1056, %add3A_1058 : vector<304x128xf32>
    %exp3A_1060 = math.exp %add3A_1059 : vector<304x128xf32>
    %add3A_1061 = arith.constant 1.000000e+00 : f32
    %add3A_1062 = vector.broadcast %add3A_1061 : f32 to vector<304x128xf32>
    %add3A_1063 = arith.addf %add3A_1062, %exp3A_1060 : vector<304x128xf32>
    %div3A_1064 = arith.constant 1.000000e+00 : f32
    %div3A_1065 = vector.broadcast %div3A_1064 : f32 to vector<304x128xf32>
    %div3A_1066 = arith.divf %div3A_1065, %add3A_1063 : vector<304x128xf32>
    %mul3A_1067 = vector.broadcast %select_n3A_26 : vector<1x128xf32> to vector<304x128xf32>
    %mul3A_1068 = arith.mulf %exp3A_1060, %mul3A_1067 : vector<304x128xf32>
    %mul3A_1069 = vector.broadcast %select_n3A_18 : vector<1x128xf32> to vector<304x128xf32>
    %mul3A_1070 = arith.mulf %div3A_1066, %mul3A_1069 : vector<304x128xf32>
    %add3A_1071 = arith.addf %mul3A_1070, %select_n3A_110 : vector<304x128xf32>
    %broadcast_in_dim3A_1072 = vector.shape_cast %or3A : vector<1x128xi1> to vector<1x128xi1>
    %broadcast_in_dim3A_1073 = vector.broadcast %broadcast_in_dim3A_1072 : vector<1x128xi1> to vector<304x128xi1>
    %select_n3A_1074 = arith.select %broadcast_in_dim3A_1073, %mul3A_1068, %add3A_1071 : vector<304x128xi1>, vector<304x128xf32>
    %slice3A_1075 = vector.extract_strided_slice %select_n3A_1074 {offsets = [0, 0], sizes = [304, 85], strides = [1, 1]} : vector<304x128xf32> to vector<304x85xf32>
    %swap3A_1076 = arith.constant 10 : index
    %swap3A_1077 = arith.constant 0 : index
    %swap3A_1078 = arith.constant 0 : index
    %swap3A_1079 = arith.constant 0 : index
    %swap3A_1080 = vector.load %arg4[%swap3A_1076, %swap3A_1077, %swap3A_1078, %swap3A_1079] : memref<16x3x304x85xf32, #tpu.memory_space<vmem>>, vector<1x1x304x85xf32>
    %swap3A_1081 = vector.shape_cast %swap3A_1080 : vector<1x1x304x85xf32> to vector<304x85xf32>
    %swap3A_1082 = vector.shape_cast %slice3A_1075 : vector<304x85xf32> to vector<1x1x304x85xf32>
    tpu.vector_store %arg4[%swap3A_1076, %swap3A_1077, %swap3A_1078, %swap3A_1079], %swap3A_1082 {strides = array<i32>} : memref<16x3x304x85xf32, #tpu.memory_space<vmem>>, vector<1x1x304x85xf32>,
    %slice3A_1083 = vector.extract_strided_slice %dot_general3A_1053 {offsets = [0, 128], sizes = [304, 128], strides = [1, 1]} : vector<304x384xf32> to vector<304x128xf32>
    %mul3A_1084 = vector.broadcast %select_n3A : vector<1x128xf32> to vector<304x128xf32>
    %mul3A_1085 = arith.mulf %slice3A_1083, %mul3A_1084 : vector<304x128xf32>
    %slice3A_1086 = vector.extract_strided_slice %get3A_4 {offsets = [0, 128], sizes = [1, 128], strides = [1, 1]} : vector<1x384xf32> to vector<1x128xf32>
    %add3A_1087 = vector.broadcast %slice3A_1086 : vector<1x128xf32> to vector<304x128xf32>
    %add3A_1088 = arith.addf %mul3A_1085, %add3A_1087 : vector<304x128xf32>
    %exp3A_1089 = math.exp %add3A_1088 : vector<304x128xf32>
    %add3A_1090 = arith.constant 1.000000e+00 : f32
    %add3A_1091 = vector.broadcast %add3A_1090 : f32 to vector<304x128xf32>
    %add3A_1092 = arith.addf %add3A_1091, %exp3A_1089 : vector<304x128xf32>
    %div3A_1093 = arith.constant 1.000000e+00 : f32
    %div3A_1094 = vector.broadcast %div3A_1093 : f32 to vector<304x128xf32>
    %div3A_1095 = arith.divf %div3A_1094, %add3A_1092 : vector<304x128xf32>
    %mul3A_1096 = vector.broadcast %select_n3A_34 : vector<1x128xf32> to vector<304x128xf32>
    %mul3A_1097 = arith.mulf %exp3A_1089, %mul3A_1096 : vector<304x128xf32>
    %mul3A_1098 = vector.broadcast %select_n3A_18 : vector<1x128xf32> to vector<304x128xf32>
    %mul3A_1099 = arith.mulf %div3A_1095, %mul3A_1098 : vector<304x128xf32>
    %add3A_1100 = arith.addf %mul3A_1099, %select_n3A_110 : vector<304x128xf32>
    %broadcast_in_dim3A_1101 = vector.shape_cast %or3A : vector<1x128xi1> to vector<1x128xi1>
    %broadcast_in_dim3A_1102 = vector.broadcast %broadcast_in_dim3A_1101 : vector<1x128xi1> to vector<304x128xi1>
    %select_n3A_1103 = arith.select %broadcast_in_dim3A_1102, %mul3A_1097, %add3A_1100 : vector<304x128xi1>, vector<304x128xf32>
    %slice3A_1104 = vector.extract_strided_slice %select_n3A_1103 {offsets = [0, 0], sizes = [304, 85], strides = [1, 1]} : vector<304x128xf32> to vector<304x85xf32>
    %swap3A_1105 = arith.constant 10 : index
    %swap3A_1106 = arith.constant 1 : index
    %swap3A_1107 = arith.constant 0 : index
    %swap3A_1108 = arith.constant 0 : index
    %swap3A_1109 = vector.load %arg4[%swap3A_1105, %swap3A_1106, %swap3A_1107, %swap3A_1108] : memref<16x3x304x85xf32, #tpu.memory_space<vmem>>, vector<1x1x304x85xf32>
    %swap3A_1110 = vector.shape_cast %swap3A_1109 : vector<1x1x304x85xf32> to vector<304x85xf32>
    %swap3A_1111 = vector.shape_cast %slice3A_1104 : vector<304x85xf32> to vector<1x1x304x85xf32>
    tpu.vector_store %arg4[%swap3A_1105, %swap3A_1106, %swap3A_1107, %swap3A_1108], %swap3A_1111 {strides = array<i32>} : memref<16x3x304x85xf32, #tpu.memory_space<vmem>>, vector<1x1x304x85xf32>,
    %slice3A_1112 = vector.extract_strided_slice %dot_general3A_1053 {offsets = [0, 256], sizes = [304, 128], strides = [1, 1]} : vector<304x384xf32> to vector<304x128xf32>
    %mul3A_1113 = vector.broadcast %select_n3A : vector<1x128xf32> to vector<304x128xf32>
    %mul3A_1114 = arith.mulf %slice3A_1112, %mul3A_1113 : vector<304x128xf32>
    %slice3A_1115 = vector.extract_strided_slice %get3A_4 {offsets = [0, 256], sizes = [1, 128], strides = [1, 1]} : vector<1x384xf32> to vector<1x128xf32>
    %add3A_1116 = vector.broadcast %slice3A_1115 : vector<1x128xf32> to vector<304x128xf32>
    %add3A_1117 = arith.addf %mul3A_1114, %add3A_1116 : vector<304x128xf32>
    %exp3A_1118 = math.exp %add3A_1117 : vector<304x128xf32>
    %add3A_1119 = arith.constant 1.000000e+00 : f32
    %add3A_1120 = vector.broadcast %add3A_1119 : f32 to vector<304x128xf32>
    %add3A_1121 = arith.addf %add3A_1120, %exp3A_1118 : vector<304x128xf32>
    %div3A_1122 = arith.constant 1.000000e+00 : f32
    %div3A_1123 = vector.broadcast %div3A_1122 : f32 to vector<304x128xf32>
    %div3A_1124 = arith.divf %div3A_1123, %add3A_1121 : vector<304x128xf32>
    %mul3A_1125 = vector.broadcast %select_n3A_42 : vector<1x128xf32> to vector<304x128xf32>
    %mul3A_1126 = arith.mulf %exp3A_1118, %mul3A_1125 : vector<304x128xf32>
    %mul3A_1127 = vector.broadcast %select_n3A_18 : vector<1x128xf32> to vector<304x128xf32>
    %mul3A_1128 = arith.mulf %div3A_1124, %mul3A_1127 : vector<304x128xf32>
    %add3A_1129 = arith.addf %mul3A_1128, %select_n3A_110 : vector<304x128xf32>
    %broadcast_in_dim3A_1130 = vector.shape_cast %or3A : vector<1x128xi1> to vector<1x128xi1>
    %broadcast_in_dim3A_1131 = vector.broadcast %broadcast_in_dim3A_1130 : vector<1x128xi1> to vector<304x128xi1>
    %select_n3A_1132 = arith.select %broadcast_in_dim3A_1131, %mul3A_1126, %add3A_1129 : vector<304x128xi1>, vector<304x128xf32>
    %slice3A_1133 = vector.extract_strided_slice %select_n3A_1132 {offsets = [0, 0], sizes = [304, 85], strides = [1, 1]} : vector<304x128xf32> to vector<304x85xf32>
    %swap3A_1134 = arith.constant 10 : index
    %swap3A_1135 = arith.constant 2 : index
    %swap3A_1136 = arith.constant 0 : index
    %swap3A_1137 = arith.constant 0 : index
    %swap3A_1138 = vector.load %arg4[%swap3A_1134, %swap3A_1135, %swap3A_1136, %swap3A_1137] : memref<16x3x304x85xf32, #tpu.memory_space<vmem>>, vector<1x1x304x85xf32>
    %swap3A_1139 = vector.shape_cast %swap3A_1138 : vector<1x1x304x85xf32> to vector<304x85xf32>
    %swap3A_1140 = vector.shape_cast %slice3A_1133 : vector<304x85xf32> to vector<1x1x304x85xf32>
    tpu.vector_store %arg4[%swap3A_1134, %swap3A_1135, %swap3A_1136, %swap3A_1137], %swap3A_1140 {strides = array<i32>} : memref<16x3x304x85xf32, #tpu.memory_space<vmem>>, vector<1x1x304x85xf32>,
    %get3A_1141 = arith.constant 0 : index
    %get3A_1142 = arith.constant 11 : index
    %get3A_1143 = arith.constant 0 : index
    %get3A_1144 = vector.load %arg1[%get3A_1141, %get3A_1142, %get3A_1143] : memref<304x16x128xf32, #tpu.memory_space<vmem>>, vector<304x1x128xf32>
    %get3A_1145 = vector.shape_cast %get3A_1144 : vector<304x1x128xf32> to vector<304x128xf32>
    %dot_general3A_1146 = arith.constant dense<0.000000e+00> : vector<304x384xf32>
    %dot_general3A_1147 = tpu.matmul %get3A_1145, %get3A_1, %dot_general3A_1146 {dimension_numbers = #tpu.dot_dimension_numbers<[1], [1], [0], [0], [0, 0, 1, 0], [], []>, transpose_lhs_hint = false} : vector<304x128xf32>, vector<384x128xf32>, vector<304x384xf32> -> vector<304x384xf32>
    %slice3A_1148 = vector.extract_strided_slice %dot_general3A_1147 {offsets = [0, 0], sizes = [304, 128], strides = [1, 1]} : vector<304x384xf32> to vector<304x128xf32>
    %mul3A_1149 = vector.broadcast %select_n3A : vector<1x128xf32> to vector<304x128xf32>
    %mul3A_1150 = arith.mulf %slice3A_1148, %mul3A_1149 : vector<304x128xf32>
    %slice3A_1151 = vector.extract_strided_slice %get3A_4 {offsets = [0, 0], sizes = [1, 128], strides = [1, 1]} : vector<1x384xf32> to vector<1x128xf32>
    %add3A_1152 = vector.broadcast %slice3A_1151 : vector<1x128xf32> to vector<304x128xf32>
    %add3A_1153 = arith.addf %mul3A_1150, %add3A_1152 : vector<304x128xf32>
    %exp3A_1154 = math.exp %add3A_1153 : vector<304x128xf32>
    %add3A_1155 = arith.constant 1.000000e+00 : f32
    %add3A_1156 = vector.broadcast %add3A_1155 : f32 to vector<304x128xf32>
    %add3A_1157 = arith.addf %add3A_1156, %exp3A_1154 : vector<304x128xf32>
    %div3A_1158 = arith.constant 1.000000e+00 : f32
    %div3A_1159 = vector.broadcast %div3A_1158 : f32 to vector<304x128xf32>
    %div3A_1160 = arith.divf %div3A_1159, %add3A_1157 : vector<304x128xf32>
    %mul3A_1161 = vector.broadcast %select_n3A_26 : vector<1x128xf32> to vector<304x128xf32>
    %mul3A_1162 = arith.mulf %exp3A_1154, %mul3A_1161 : vector<304x128xf32>
    %mul3A_1163 = vector.broadcast %select_n3A_18 : vector<1x128xf32> to vector<304x128xf32>
    %mul3A_1164 = arith.mulf %div3A_1160, %mul3A_1163 : vector<304x128xf32>
    %add3A_1165 = arith.addf %mul3A_1164, %select_n3A_110 : vector<304x128xf32>
    %broadcast_in_dim3A_1166 = vector.shape_cast %or3A : vector<1x128xi1> to vector<1x128xi1>
    %broadcast_in_dim3A_1167 = vector.broadcast %broadcast_in_dim3A_1166 : vector<1x128xi1> to vector<304x128xi1>
    %select_n3A_1168 = arith.select %broadcast_in_dim3A_1167, %mul3A_1162, %add3A_1165 : vector<304x128xi1>, vector<304x128xf32>
    %slice3A_1169 = vector.extract_strided_slice %select_n3A_1168 {offsets = [0, 0], sizes = [304, 85], strides = [1, 1]} : vector<304x128xf32> to vector<304x85xf32>
    %swap3A_1170 = arith.constant 11 : index
    %swap3A_1171 = arith.constant 0 : index
    %swap3A_1172 = arith.constant 0 : index
    %swap3A_1173 = arith.constant 0 : index
    %swap3A_1174 = vector.load %arg4[%swap3A_1170, %swap3A_1171, %swap3A_1172, %swap3A_1173] : memref<16x3x304x85xf32, #tpu.memory_space<vmem>>, vector<1x1x304x85xf32>
    %swap3A_1175 = vector.shape_cast %swap3A_1174 : vector<1x1x304x85xf32> to vector<304x85xf32>
    %swap3A_1176 = vector.shape_cast %slice3A_1169 : vector<304x85xf32> to vector<1x1x304x85xf32>
    tpu.vector_store %arg4[%swap3A_1170, %swap3A_1171, %swap3A_1172, %swap3A_1173], %swap3A_1176 {strides = array<i32>} : memref<16x3x304x85xf32, #tpu.memory_space<vmem>>, vector<1x1x304x85xf32>,
    %slice3A_1177 = vector.extract_strided_slice %dot_general3A_1147 {offsets = [0, 128], sizes = [304, 128], strides = [1, 1]} : vector<304x384xf32> to vector<304x128xf32>
    %mul3A_1178 = vector.broadcast %select_n3A : vector<1x128xf32> to vector<304x128xf32>
    %mul3A_1179 = arith.mulf %slice3A_1177, %mul3A_1178 : vector<304x128xf32>
    %slice3A_1180 = vector.extract_strided_slice %get3A_4 {offsets = [0, 128], sizes = [1, 128], strides = [1, 1]} : vector<1x384xf32> to vector<1x128xf32>
    %add3A_1181 = vector.broadcast %slice3A_1180 : vector<1x128xf32> to vector<304x128xf32>
    %add3A_1182 = arith.addf %mul3A_1179, %add3A_1181 : vector<304x128xf32>
    %exp3A_1183 = math.exp %add3A_1182 : vector<304x128xf32>
    %add3A_1184 = arith.constant 1.000000e+00 : f32
    %add3A_1185 = vector.broadcast %add3A_1184 : f32 to vector<304x128xf32>
    %add3A_1186 = arith.addf %add3A_1185, %exp3A_1183 : vector<304x128xf32>
    %div3A_1187 = arith.constant 1.000000e+00 : f32
    %div3A_1188 = vector.broadcast %div3A_1187 : f32 to vector<304x128xf32>
    %div3A_1189 = arith.divf %div3A_1188, %add3A_1186 : vector<304x128xf32>
    %mul3A_1190 = vector.broadcast %select_n3A_34 : vector<1x128xf32> to vector<304x128xf32>
    %mul3A_1191 = arith.mulf %exp3A_1183, %mul3A_1190 : vector<304x128xf32>
    %mul3A_1192 = vector.broadcast %select_n3A_18 : vector<1x128xf32> to vector<304x128xf32>
    %mul3A_1193 = arith.mulf %div3A_1189, %mul3A_1192 : vector<304x128xf32>
    %add3A_1194 = arith.addf %mul3A_1193, %select_n3A_110 : vector<304x128xf32>
    %broadcast_in_dim3A_1195 = vector.shape_cast %or3A : vector<1x128xi1> to vector<1x128xi1>
    %broadcast_in_dim3A_1196 = vector.broadcast %broadcast_in_dim3A_1195 : vector<1x128xi1> to vector<304x128xi1>
    %select_n3A_1197 = arith.select %broadcast_in_dim3A_1196, %mul3A_1191, %add3A_1194 : vector<304x128xi1>, vector<304x128xf32>
    %slice3A_1198 = vector.extract_strided_slice %select_n3A_1197 {offsets = [0, 0], sizes = [304, 85], strides = [1, 1]} : vector<304x128xf32> to vector<304x85xf32>
    %swap3A_1199 = arith.constant 11 : index
    %swap3A_1200 = arith.constant 1 : index
    %swap3A_1201 = arith.constant 0 : index
    %swap3A_1202 = arith.constant 0 : index
    %swap3A_1203 = vector.load %arg4[%swap3A_1199, %swap3A_1200, %swap3A_1201, %swap3A_1202] : memref<16x3x304x85xf32, #tpu.memory_space<vmem>>, vector<1x1x304x85xf32>
    %swap3A_1204 = vector.shape_cast %swap3A_1203 : vector<1x1x304x85xf32> to vector<304x85xf32>
    %swap3A_1205 = vector.shape_cast %slice3A_1198 : vector<304x85xf32> to vector<1x1x304x85xf32>
    tpu.vector_store %arg4[%swap3A_1199, %swap3A_1200, %swap3A_1201, %swap3A_1202], %swap3A_1205 {strides = array<i32>} : memref<16x3x304x85xf32, #tpu.memory_space<vmem>>, vector<1x1x304x85xf32>,
    %slice3A_1206 = vector.extract_strided_slice %dot_general3A_1147 {offsets = [0, 256], sizes = [304, 128], strides = [1, 1]} : vector<304x384xf32> to vector<304x128xf32>
    %mul3A_1207 = vector.broadcast %select_n3A : vector<1x128xf32> to vector<304x128xf32>
    %mul3A_1208 = arith.mulf %slice3A_1206, %mul3A_1207 : vector<304x128xf32>
    %slice3A_1209 = vector.extract_strided_slice %get3A_4 {offsets = [0, 256], sizes = [1, 128], strides = [1, 1]} : vector<1x384xf32> to vector<1x128xf32>
    %add3A_1210 = vector.broadcast %slice3A_1209 : vector<1x128xf32> to vector<304x128xf32>
    %add3A_1211 = arith.addf %mul3A_1208, %add3A_1210 : vector<304x128xf32>
    %exp3A_1212 = math.exp %add3A_1211 : vector<304x128xf32>
    %add3A_1213 = arith.constant 1.000000e+00 : f32
    %add3A_1214 = vector.broadcast %add3A_1213 : f32 to vector<304x128xf32>
    %add3A_1215 = arith.addf %add3A_1214, %exp3A_1212 : vector<304x128xf32>
    %div3A_1216 = arith.constant 1.000000e+00 : f32
    %div3A_1217 = vector.broadcast %div3A_1216 : f32 to vector<304x128xf32>
    %div3A_1218 = arith.divf %div3A_1217, %add3A_1215 : vector<304x128xf32>
    %mul3A_1219 = vector.broadcast %select_n3A_42 : vector<1x128xf32> to vector<304x128xf32>
    %mul3A_1220 = arith.mulf %exp3A_1212, %mul3A_1219 : vector<304x128xf32>
    %mul3A_1221 = vector.broadcast %select_n3A_18 : vector<1x128xf32> to vector<304x128xf32>
    %mul3A_1222 = arith.mulf %div3A_1218, %mul3A_1221 : vector<304x128xf32>
    %add3A_1223 = arith.addf %mul3A_1222, %select_n3A_110 : vector<304x128xf32>
    %broadcast_in_dim3A_1224 = vector.shape_cast %or3A : vector<1x128xi1> to vector<1x128xi1>
    %broadcast_in_dim3A_1225 = vector.broadcast %broadcast_in_dim3A_1224 : vector<1x128xi1> to vector<304x128xi1>
    %select_n3A_1226 = arith.select %broadcast_in_dim3A_1225, %mul3A_1220, %add3A_1223 : vector<304x128xi1>, vector<304x128xf32>
    %slice3A_1227 = vector.extract_strided_slice %select_n3A_1226 {offsets = [0, 0], sizes = [304, 85], strides = [1, 1]} : vector<304x128xf32> to vector<304x85xf32>
    %swap3A_1228 = arith.constant 11 : index
    %swap3A_1229 = arith.constant 2 : index
    %swap3A_1230 = arith.constant 0 : index
    %swap3A_1231 = arith.constant 0 : index
    %swap3A_1232 = vector.load %arg4[%swap3A_1228, %swap3A_1229, %swap3A_1230, %swap3A_1231] : memref<16x3x304x85xf32, #tpu.memory_space<vmem>>, vector<1x1x304x85xf32>
    %swap3A_1233 = vector.shape_cast %swap3A_1232 : vector<1x1x304x85xf32> to vector<304x85xf32>
    %swap3A_1234 = vector.shape_cast %slice3A_1227 : vector<304x85xf32> to vector<1x1x304x85xf32>
    tpu.vector_store %arg4[%swap3A_1228, %swap3A_1229, %swap3A_1230, %swap3A_1231], %swap3A_1234 {strides = array<i32>} : memref<16x3x304x85xf32, #tpu.memory_space<vmem>>, vector<1x1x304x85xf32>,
    %get3A_1235 = arith.constant 0 : index
    %get3A_1236 = arith.constant 12 : index
    %get3A_1237 = arith.constant 0 : index
    %get3A_1238 = vector.load %arg1[%get3A_1235, %get3A_1236, %get3A_1237] : memref<304x16x128xf32, #tpu.memory_space<vmem>>, vector<304x1x128xf32>
    %get3A_1239 = vector.shape_cast %get3A_1238 : vector<304x1x128xf32> to vector<304x128xf32>
    %dot_general3A_1240 = arith.constant dense<0.000000e+00> : vector<304x384xf32>
    %dot_general3A_1241 = tpu.matmul %get3A_1239, %get3A_1, %dot_general3A_1240 {dimension_numbers = #tpu.dot_dimension_numbers<[1], [1], [0], [0], [0, 0, 1, 0], [], []>, transpose_lhs_hint = false} : vector<304x128xf32>, vector<384x128xf32>, vector<304x384xf32> -> vector<304x384xf32>
    %slice3A_1242 = vector.extract_strided_slice %dot_general3A_1241 {offsets = [0, 0], sizes = [304, 128], strides = [1, 1]} : vector<304x384xf32> to vector<304x128xf32>
    %mul3A_1243 = vector.broadcast %select_n3A : vector<1x128xf32> to vector<304x128xf32>
    %mul3A_1244 = arith.mulf %slice3A_1242, %mul3A_1243 : vector<304x128xf32>
    %slice3A_1245 = vector.extract_strided_slice %get3A_4 {offsets = [0, 0], sizes = [1, 128], strides = [1, 1]} : vector<1x384xf32> to vector<1x128xf32>
    %add3A_1246 = vector.broadcast %slice3A_1245 : vector<1x128xf32> to vector<304x128xf32>
    %add3A_1247 = arith.addf %mul3A_1244, %add3A_1246 : vector<304x128xf32>
    %exp3A_1248 = math.exp %add3A_1247 : vector<304x128xf32>
    %add3A_1249 = arith.constant 1.000000e+00 : f32
    %add3A_1250 = vector.broadcast %add3A_1249 : f32 to vector<304x128xf32>
    %add3A_1251 = arith.addf %add3A_1250, %exp3A_1248 : vector<304x128xf32>
    %div3A_1252 = arith.constant 1.000000e+00 : f32
    %div3A_1253 = vector.broadcast %div3A_1252 : f32 to vector<304x128xf32>
    %div3A_1254 = arith.divf %div3A_1253, %add3A_1251 : vector<304x128xf32>
    %mul3A_1255 = vector.broadcast %select_n3A_26 : vector<1x128xf32> to vector<304x128xf32>
    %mul3A_1256 = arith.mulf %exp3A_1248, %mul3A_1255 : vector<304x128xf32>
    %mul3A_1257 = vector.broadcast %select_n3A_18 : vector<1x128xf32> to vector<304x128xf32>
    %mul3A_1258 = arith.mulf %div3A_1254, %mul3A_1257 : vector<304x128xf32>
    %add3A_1259 = arith.addf %mul3A_1258, %select_n3A_110 : vector<304x128xf32>
    %broadcast_in_dim3A_1260 = vector.shape_cast %or3A : vector<1x128xi1> to vector<1x128xi1>
    %broadcast_in_dim3A_1261 = vector.broadcast %broadcast_in_dim3A_1260 : vector<1x128xi1> to vector<304x128xi1>
    %select_n3A_1262 = arith.select %broadcast_in_dim3A_1261, %mul3A_1256, %add3A_1259 : vector<304x128xi1>, vector<304x128xf32>
    %slice3A_1263 = vector.extract_strided_slice %select_n3A_1262 {offsets = [0, 0], sizes = [304, 85], strides = [1, 1]} : vector<304x128xf32> to vector<304x85xf32>
    %swap3A_1264 = arith.constant 12 : index
    %swap3A_1265 = arith.constant 0 : index
    %swap3A_1266 = arith.constant 0 : index
    %swap3A_1267 = arith.constant 0 : index
    %swap3A_1268 = vector.load %arg4[%swap3A_1264, %swap3A_1265, %swap3A_1266, %swap3A_1267] : memref<16x3x304x85xf32, #tpu.memory_space<vmem>>, vector<1x1x304x85xf32>
    %swap3A_1269 = vector.shape_cast %swap3A_1268 : vector<1x1x304x85xf32> to vector<304x85xf32>
    %swap3A_1270 = vector.shape_cast %slice3A_1263 : vector<304x85xf32> to vector<1x1x304x85xf32>
    tpu.vector_store %arg4[%swap3A_1264, %swap3A_1265, %swap3A_1266, %swap3A_1267], %swap3A_1270 {strides = array<i32>} : memref<16x3x304x85xf32, #tpu.memory_space<vmem>>, vector<1x1x304x85xf32>,
    %slice3A_1271 = vector.extract_strided_slice %dot_general3A_1241 {offsets = [0, 128], sizes = [304, 128], strides = [1, 1]} : vector<304x384xf32> to vector<304x128xf32>
    %mul3A_1272 = vector.broadcast %select_n3A : vector<1x128xf32> to vector<304x128xf32>
    %mul3A_1273 = arith.mulf %slice3A_1271, %mul3A_1272 : vector<304x128xf32>
    %slice3A_1274 = vector.extract_strided_slice %get3A_4 {offsets = [0, 128], sizes = [1, 128], strides = [1, 1]} : vector<1x384xf32> to vector<1x128xf32>
    %add3A_1275 = vector.broadcast %slice3A_1274 : vector<1x128xf32> to vector<304x128xf32>
    %add3A_1276 = arith.addf %mul3A_1273, %add3A_1275 : vector<304x128xf32>
    %exp3A_1277 = math.exp %add3A_1276 : vector<304x128xf32>
    %add3A_1278 = arith.constant 1.000000e+00 : f32
    %add3A_1279 = vector.broadcast %add3A_1278 : f32 to vector<304x128xf32>
    %add3A_1280 = arith.addf %add3A_1279, %exp3A_1277 : vector<304x128xf32>
    %div3A_1281 = arith.constant 1.000000e+00 : f32
    %div3A_1282 = vector.broadcast %div3A_1281 : f32 to vector<304x128xf32>
    %div3A_1283 = arith.divf %div3A_1282, %add3A_1280 : vector<304x128xf32>
    %mul3A_1284 = vector.broadcast %select_n3A_34 : vector<1x128xf32> to vector<304x128xf32>
    %mul3A_1285 = arith.mulf %exp3A_1277, %mul3A_1284 : vector<304x128xf32>
    %mul3A_1286 = vector.broadcast %select_n3A_18 : vector<1x128xf32> to vector<304x128xf32>
    %mul3A_1287 = arith.mulf %div3A_1283, %mul3A_1286 : vector<304x128xf32>
    %add3A_1288 = arith.addf %mul3A_1287, %select_n3A_110 : vector<304x128xf32>
    %broadcast_in_dim3A_1289 = vector.shape_cast %or3A : vector<1x128xi1> to vector<1x128xi1>
    %broadcast_in_dim3A_1290 = vector.broadcast %broadcast_in_dim3A_1289 : vector<1x128xi1> to vector<304x128xi1>
    %select_n3A_1291 = arith.select %broadcast_in_dim3A_1290, %mul3A_1285, %add3A_1288 : vector<304x128xi1>, vector<304x128xf32>
    %slice3A_1292 = vector.extract_strided_slice %select_n3A_1291 {offsets = [0, 0], sizes = [304, 85], strides = [1, 1]} : vector<304x128xf32> to vector<304x85xf32>
    %swap3A_1293 = arith.constant 12 : index
    %swap3A_1294 = arith.constant 1 : index
    %swap3A_1295 = arith.constant 0 : index
    %swap3A_1296 = arith.constant 0 : index
    %swap3A_1297 = vector.load %arg4[%swap3A_1293, %swap3A_1294, %swap3A_1295, %swap3A_1296] : memref<16x3x304x85xf32, #tpu.memory_space<vmem>>, vector<1x1x304x85xf32>
    %swap3A_1298 = vector.shape_cast %swap3A_1297 : vector<1x1x304x85xf32> to vector<304x85xf32>
    %swap3A_1299 = vector.shape_cast %slice3A_1292 : vector<304x85xf32> to vector<1x1x304x85xf32>
    tpu.vector_store %arg4[%swap3A_1293, %swap3A_1294, %swap3A_1295, %swap3A_1296], %swap3A_1299 {strides = array<i32>} : memref<16x3x304x85xf32, #tpu.memory_space<vmem>>, vector<1x1x304x85xf32>,
    %slice3A_1300 = vector.extract_strided_slice %dot_general3A_1241 {offsets = [0, 256], sizes = [304, 128], strides = [1, 1]} : vector<304x384xf32> to vector<304x128xf32>
    %mul3A_1301 = vector.broadcast %select_n3A : vector<1x128xf32> to vector<304x128xf32>
    %mul3A_1302 = arith.mulf %slice3A_1300, %mul3A_1301 : vector<304x128xf32>
    %slice3A_1303 = vector.extract_strided_slice %get3A_4 {offsets = [0, 256], sizes = [1, 128], strides = [1, 1]} : vector<1x384xf32> to vector<1x128xf32>
    %add3A_1304 = vector.broadcast %slice3A_1303 : vector<1x128xf32> to vector<304x128xf32>
    %add3A_1305 = arith.addf %mul3A_1302, %add3A_1304 : vector<304x128xf32>
    %exp3A_1306 = math.exp %add3A_1305 : vector<304x128xf32>
    %add3A_1307 = arith.constant 1.000000e+00 : f32
    %add3A_1308 = vector.broadcast %add3A_1307 : f32 to vector<304x128xf32>
    %add3A_1309 = arith.addf %add3A_1308, %exp3A_1306 : vector<304x128xf32>
    %div3A_1310 = arith.constant 1.000000e+00 : f32
    %div3A_1311 = vector.broadcast %div3A_1310 : f32 to vector<304x128xf32>
    %div3A_1312 = arith.divf %div3A_1311, %add3A_1309 : vector<304x128xf32>
    %mul3A_1313 = vector.broadcast %select_n3A_42 : vector<1x128xf32> to vector<304x128xf32>
    %mul3A_1314 = arith.mulf %exp3A_1306, %mul3A_1313 : vector<304x128xf32>
    %mul3A_1315 = vector.broadcast %select_n3A_18 : vector<1x128xf32> to vector<304x128xf32>
    %mul3A_1316 = arith.mulf %div3A_1312, %mul3A_1315 : vector<304x128xf32>
    %add3A_1317 = arith.addf %mul3A_1316, %select_n3A_110 : vector<304x128xf32>
    %broadcast_in_dim3A_1318 = vector.shape_cast %or3A : vector<1x128xi1> to vector<1x128xi1>
    %broadcast_in_dim3A_1319 = vector.broadcast %broadcast_in_dim3A_1318 : vector<1x128xi1> to vector<304x128xi1>
    %select_n3A_1320 = arith.select %broadcast_in_dim3A_1319, %mul3A_1314, %add3A_1317 : vector<304x128xi1>, vector<304x128xf32>
    %slice3A_1321 = vector.extract_strided_slice %select_n3A_1320 {offsets = [0, 0], sizes = [304, 85], strides = [1, 1]} : vector<304x128xf32> to vector<304x85xf32>
    %swap3A_1322 = arith.constant 12 : index
    %swap3A_1323 = arith.constant 2 : index
    %swap3A_1324 = arith.constant 0 : index
    %swap3A_1325 = arith.constant 0 : index
    %swap3A_1326 = vector.load %arg4[%swap3A_1322, %swap3A_1323, %swap3A_1324, %swap3A_1325] : memref<16x3x304x85xf32, #tpu.memory_space<vmem>>, vector<1x1x304x85xf32>
    %swap3A_1327 = vector.shape_cast %swap3A_1326 : vector<1x1x304x85xf32> to vector<304x85xf32>
    %swap3A_1328 = vector.shape_cast %slice3A_1321 : vector<304x85xf32> to vector<1x1x304x85xf32>
    tpu.vector_store %arg4[%swap3A_1322, %swap3A_1323, %swap3A_1324, %swap3A_1325], %swap3A_1328 {strides = array<i32>} : memref<16x3x304x85xf32, #tpu.memory_space<vmem>>, vector<1x1x304x85xf32>,
    %get3A_1329 = arith.constant 0 : index
    %get3A_1330 = arith.constant 13 : index
    %get3A_1331 = arith.constant 0 : index
    %get3A_1332 = vector.load %arg1[%get3A_1329, %get3A_1330, %get3A_1331] : memref<304x16x128xf32, #tpu.memory_space<vmem>>, vector<304x1x128xf32>
    %get3A_1333 = vector.shape_cast %get3A_1332 : vector<304x1x128xf32> to vector<304x128xf32>
    %dot_general3A_1334 = arith.constant dense<0.000000e+00> : vector<304x384xf32>
    %dot_general3A_1335 = tpu.matmul %get3A_1333, %get3A_1, %dot_general3A_1334 {dimension_numbers = #tpu.dot_dimension_numbers<[1], [1], [0], [0], [0, 0, 1, 0], [], []>, transpose_lhs_hint = false} : vector<304x128xf32>, vector<384x128xf32>, vector<304x384xf32> -> vector<304x384xf32>
    %slice3A_1336 = vector.extract_strided_slice %dot_general3A_1335 {offsets = [0, 0], sizes = [304, 128], strides = [1, 1]} : vector<304x384xf32> to vector<304x128xf32>
    %mul3A_1337 = vector.broadcast %select_n3A : vector<1x128xf32> to vector<304x128xf32>
    %mul3A_1338 = arith.mulf %slice3A_1336, %mul3A_1337 : vector<304x128xf32>
    %slice3A_1339 = vector.extract_strided_slice %get3A_4 {offsets = [0, 0], sizes = [1, 128], strides = [1, 1]} : vector<1x384xf32> to vector<1x128xf32>
    %add3A_1340 = vector.broadcast %slice3A_1339 : vector<1x128xf32> to vector<304x128xf32>
    %add3A_1341 = arith.addf %mul3A_1338, %add3A_1340 : vector<304x128xf32>
    %exp3A_1342 = math.exp %add3A_1341 : vector<304x128xf32>
    %add3A_1343 = arith.constant 1.000000e+00 : f32
    %add3A_1344 = vector.broadcast %add3A_1343 : f32 to vector<304x128xf32>
    %add3A_1345 = arith.addf %add3A_1344, %exp3A_1342 : vector<304x128xf32>
    %div3A_1346 = arith.constant 1.000000e+00 : f32
    %div3A_1347 = vector.broadcast %div3A_1346 : f32 to vector<304x128xf32>
    %div3A_1348 = arith.divf %div3A_1347, %add3A_1345 : vector<304x128xf32>
    %mul3A_1349 = vector.broadcast %select_n3A_26 : vector<1x128xf32> to vector<304x128xf32>
    %mul3A_1350 = arith.mulf %exp3A_1342, %mul3A_1349 : vector<304x128xf32>
    %mul3A_1351 = vector.broadcast %select_n3A_18 : vector<1x128xf32> to vector<304x128xf32>
    %mul3A_1352 = arith.mulf %div3A_1348, %mul3A_1351 : vector<304x128xf32>
    %add3A_1353 = arith.addf %mul3A_1352, %select_n3A_110 : vector<304x128xf32>
    %broadcast_in_dim3A_1354 = vector.shape_cast %or3A : vector<1x128xi1> to vector<1x128xi1>
    %broadcast_in_dim3A_1355 = vector.broadcast %broadcast_in_dim3A_1354 : vector<1x128xi1> to vector<304x128xi1>
    %select_n3A_1356 = arith.select %broadcast_in_dim3A_1355, %mul3A_1350, %add3A_1353 : vector<304x128xi1>, vector<304x128xf32>
    %slice3A_1357 = vector.extract_strided_slice %select_n3A_1356 {offsets = [0, 0], sizes = [304, 85], strides = [1, 1]} : vector<304x128xf32> to vector<304x85xf32>
    %swap3A_1358 = arith.constant 13 : index
    %swap3A_1359 = arith.constant 0 : index
    %swap3A_1360 = arith.constant 0 : index
    %swap3A_1361 = arith.constant 0 : index
    %swap3A_1362 = vector.load %arg4[%swap3A_1358, %swap3A_1359, %swap3A_1360, %swap3A_1361] : memref<16x3x304x85xf32, #tpu.memory_space<vmem>>, vector<1x1x304x85xf32>
    %swap3A_1363 = vector.shape_cast %swap3A_1362 : vector<1x1x304x85xf32> to vector<304x85xf32>
    %swap3A_1364 = vector.shape_cast %slice3A_1357 : vector<304x85xf32> to vector<1x1x304x85xf32>
    tpu.vector_store %arg4[%swap3A_1358, %swap3A_1359, %swap3A_1360, %swap3A_1361], %swap3A_1364 {strides = array<i32>} : memref<16x3x304x85xf32, #tpu.memory_space<vmem>>, vector<1x1x304x85xf32>,
    %slice3A_1365 = vector.extract_strided_slice %dot_general3A_1335 {offsets = [0, 128], sizes = [304, 128], strides = [1, 1]} : vector<304x384xf32> to vector<304x128xf32>
    %mul3A_1366 = vector.broadcast %select_n3A : vector<1x128xf32> to vector<304x128xf32>
    %mul3A_1367 = arith.mulf %slice3A_1365, %mul3A_1366 : vector<304x128xf32>
    %slice3A_1368 = vector.extract_strided_slice %get3A_4 {offsets = [0, 128], sizes = [1, 128], strides = [1, 1]} : vector<1x384xf32> to vector<1x128xf32>
    %add3A_1369 = vector.broadcast %slice3A_1368 : vector<1x128xf32> to vector<304x128xf32>
    %add3A_1370 = arith.addf %mul3A_1367, %add3A_1369 : vector<304x128xf32>
    %exp3A_1371 = math.exp %add3A_1370 : vector<304x128xf32>
    %add3A_1372 = arith.constant 1.000000e+00 : f32
    %add3A_1373 = vector.broadcast %add3A_1372 : f32 to vector<304x128xf32>
    %add3A_1374 = arith.addf %add3A_1373, %exp3A_1371 : vector<304x128xf32>
    %div3A_1375 = arith.constant 1.000000e+00 : f32
    %div3A_1376 = vector.broadcast %div3A_1375 : f32 to vector<304x128xf32>
    %div3A_1377 = arith.divf %div3A_1376, %add3A_1374 : vector<304x128xf32>
    %mul3A_1378 = vector.broadcast %select_n3A_34 : vector<1x128xf32> to vector<304x128xf32>
    %mul3A_1379 = arith.mulf %exp3A_1371, %mul3A_1378 : vector<304x128xf32>
    %mul3A_1380 = vector.broadcast %select_n3A_18 : vector<1x128xf32> to vector<304x128xf32>
    %mul3A_1381 = arith.mulf %div3A_1377, %mul3A_1380 : vector<304x128xf32>
    %add3A_1382 = arith.addf %mul3A_1381, %select_n3A_110 : vector<304x128xf32>
    %broadcast_in_dim3A_1383 = vector.shape_cast %or3A : vector<1x128xi1> to vector<1x128xi1>
    %broadcast_in_dim3A_1384 = vector.broadcast %broadcast_in_dim3A_1383 : vector<1x128xi1> to vector<304x128xi1>
    %select_n3A_1385 = arith.select %broadcast_in_dim3A_1384, %mul3A_1379, %add3A_1382 : vector<304x128xi1>, vector<304x128xf32>
    %slice3A_1386 = vector.extract_strided_slice %select_n3A_1385 {offsets = [0, 0], sizes = [304, 85], strides = [1, 1]} : vector<304x128xf32> to vector<304x85xf32>
    %swap3A_1387 = arith.constant 13 : index
    %swap3A_1388 = arith.constant 1 : index
    %swap3A_1389 = arith.constant 0 : index
    %swap3A_1390 = arith.constant 0 : index
    %swap3A_1391 = vector.load %arg4[%swap3A_1387, %swap3A_1388, %swap3A_1389, %swap3A_1390] : memref<16x3x304x85xf32, #tpu.memory_space<vmem>>, vector<1x1x304x85xf32>
    %swap3A_1392 = vector.shape_cast %swap3A_1391 : vector<1x1x304x85xf32> to vector<304x85xf32>
    %swap3A_1393 = vector.shape_cast %slice3A_1386 : vector<304x85xf32> to vector<1x1x304x85xf32>
    tpu.vector_store %arg4[%swap3A_1387, %swap3A_1388, %swap3A_1389, %swap3A_1390], %swap3A_1393 {strides = array<i32>} : memref<16x3x304x85xf32, #tpu.memory_space<vmem>>, vector<1x1x304x85xf32>,
    %slice3A_1394 = vector.extract_strided_slice %dot_general3A_1335 {offsets = [0, 256], sizes = [304, 128], strides = [1, 1]} : vector<304x384xf32> to vector<304x128xf32>
    %mul3A_1395 = vector.broadcast %select_n3A : vector<1x128xf32> to vector<304x128xf32>
    %mul3A_1396 = arith.mulf %slice3A_1394, %mul3A_1395 : vector<304x128xf32>
    %slice3A_1397 = vector.extract_strided_slice %get3A_4 {offsets = [0, 256], sizes = [1, 128], strides = [1, 1]} : vector<1x384xf32> to vector<1x128xf32>
    %add3A_1398 = vector.broadcast %slice3A_1397 : vector<1x128xf32> to vector<304x128xf32>
    %add3A_1399 = arith.addf %mul3A_1396, %add3A_1398 : vector<304x128xf32>
    %exp3A_1400 = math.exp %add3A_1399 : vector<304x128xf32>
    %add3A_1401 = arith.constant 1.000000e+00 : f32
    %add3A_1402 = vector.broadcast %add3A_1401 : f32 to vector<304x128xf32>
    %add3A_1403 = arith.addf %add3A_1402, %exp3A_1400 : vector<304x128xf32>
    %div3A_1404 = arith.constant 1.000000e+00 : f32
    %div3A_1405 = vector.broadcast %div3A_1404 : f32 to vector<304x128xf32>
    %div3A_1406 = arith.divf %div3A_1405, %add3A_1403 : vector<304x128xf32>
    %mul3A_1407 = vector.broadcast %select_n3A_42 : vector<1x128xf32> to vector<304x128xf32>
    %mul3A_1408 = arith.mulf %exp3A_1400, %mul3A_1407 : vector<304x128xf32>
    %mul3A_1409 = vector.broadcast %select_n3A_18 : vector<1x128xf32> to vector<304x128xf32>
    %mul3A_1410 = arith.mulf %div3A_1406, %mul3A_1409 : vector<304x128xf32>
    %add3A_1411 = arith.addf %mul3A_1410, %select_n3A_110 : vector<304x128xf32>
    %broadcast_in_dim3A_1412 = vector.shape_cast %or3A : vector<1x128xi1> to vector<1x128xi1>
    %broadcast_in_dim3A_1413 = vector.broadcast %broadcast_in_dim3A_1412 : vector<1x128xi1> to vector<304x128xi1>
    %select_n3A_1414 = arith.select %broadcast_in_dim3A_1413, %mul3A_1408, %add3A_1411 : vector<304x128xi1>, vector<304x128xf32>
    %slice3A_1415 = vector.extract_strided_slice %select_n3A_1414 {offsets = [0, 0], sizes = [304, 85], strides = [1, 1]} : vector<304x128xf32> to vector<304x85xf32>
    %swap3A_1416 = arith.constant 13 : index
    %swap3A_1417 = arith.constant 2 : index
    %swap3A_1418 = arith.constant 0 : index
    %swap3A_1419 = arith.constant 0 : index
    %swap3A_1420 = vector.load %arg4[%swap3A_1416, %swap3A_1417, %swap3A_1418, %swap3A_1419] : memref<16x3x304x85xf32, #tpu.memory_space<vmem>>, vector<1x1x304x85xf32>
    %swap3A_1421 = vector.shape_cast %swap3A_1420 : vector<1x1x304x85xf32> to vector<304x85xf32>
    %swap3A_1422 = vector.shape_cast %slice3A_1415 : vector<304x85xf32> to vector<1x1x304x85xf32>
    tpu.vector_store %arg4[%swap3A_1416, %swap3A_1417, %swap3A_1418, %swap3A_1419], %swap3A_1422 {strides = array<i32>} : memref<16x3x304x85xf32, #tpu.memory_space<vmem>>, vector<1x1x304x85xf32>,
    %get3A_1423 = arith.constant 0 : index
    %get3A_1424 = arith.constant 14 : index
    %get3A_1425 = arith.constant 0 : index
    %get3A_1426 = vector.load %arg1[%get3A_1423, %get3A_1424, %get3A_1425] : memref<304x16x128xf32, #tpu.memory_space<vmem>>, vector<304x1x128xf32>
    %get3A_1427 = vector.shape_cast %get3A_1426 : vector<304x1x128xf32> to vector<304x128xf32>
    %dot_general3A_1428 = arith.constant dense<0.000000e+00> : vector<304x384xf32>
    %dot_general3A_1429 = tpu.matmul %get3A_1427, %get3A_1, %dot_general3A_1428 {dimension_numbers = #tpu.dot_dimension_numbers<[1], [1], [0], [0], [0, 0, 1, 0], [], []>, transpose_lhs_hint = false} : vector<304x128xf32>, vector<384x128xf32>, vector<304x384xf32> -> vector<304x384xf32>
    %slice3A_1430 = vector.extract_strided_slice %dot_general3A_1429 {offsets = [0, 0], sizes = [304, 128], strides = [1, 1]} : vector<304x384xf32> to vector<304x128xf32>
    %mul3A_1431 = vector.broadcast %select_n3A : vector<1x128xf32> to vector<304x128xf32>
    %mul3A_1432 = arith.mulf %slice3A_1430, %mul3A_1431 : vector<304x128xf32>
    %slice3A_1433 = vector.extract_strided_slice %get3A_4 {offsets = [0, 0], sizes = [1, 128], strides = [1, 1]} : vector<1x384xf32> to vector<1x128xf32>
    %add3A_1434 = vector.broadcast %slice3A_1433 : vector<1x128xf32> to vector<304x128xf32>
    %add3A_1435 = arith.addf %mul3A_1432, %add3A_1434 : vector<304x128xf32>
    %exp3A_1436 = math.exp %add3A_1435 : vector<304x128xf32>
    %add3A_1437 = arith.constant 1.000000e+00 : f32
    %add3A_1438 = vector.broadcast %add3A_1437 : f32 to vector<304x128xf32>
    %add3A_1439 = arith.addf %add3A_1438, %exp3A_1436 : vector<304x128xf32>
    %div3A_1440 = arith.constant 1.000000e+00 : f32
    %div3A_1441 = vector.broadcast %div3A_1440 : f32 to vector<304x128xf32>
    %div3A_1442 = arith.divf %div3A_1441, %add3A_1439 : vector<304x128xf32>
    %mul3A_1443 = vector.broadcast %select_n3A_26 : vector<1x128xf32> to vector<304x128xf32>
    %mul3A_1444 = arith.mulf %exp3A_1436, %mul3A_1443 : vector<304x128xf32>
    %mul3A_1445 = vector.broadcast %select_n3A_18 : vector<1x128xf32> to vector<304x128xf32>
    %mul3A_1446 = arith.mulf %div3A_1442, %mul3A_1445 : vector<304x128xf32>
    %add3A_1447 = arith.addf %mul3A_1446, %select_n3A_110 : vector<304x128xf32>
    %broadcast_in_dim3A_1448 = vector.shape_cast %or3A : vector<1x128xi1> to vector<1x128xi1>
    %broadcast_in_dim3A_1449 = vector.broadcast %broadcast_in_dim3A_1448 : vector<1x128xi1> to vector<304x128xi1>
    %select_n3A_1450 = arith.select %broadcast_in_dim3A_1449, %mul3A_1444, %add3A_1447 : vector<304x128xi1>, vector<304x128xf32>
    %slice3A_1451 = vector.extract_strided_slice %select_n3A_1450 {offsets = [0, 0], sizes = [304, 85], strides = [1, 1]} : vector<304x128xf32> to vector<304x85xf32>
    %swap3A_1452 = arith.constant 14 : index
    %swap3A_1453 = arith.constant 0 : index
    %swap3A_1454 = arith.constant 0 : index
    %swap3A_1455 = arith.constant 0 : index
    %swap3A_1456 = vector.load %arg4[%swap3A_1452, %swap3A_1453, %swap3A_1454, %swap3A_1455] : memref<16x3x304x85xf32, #tpu.memory_space<vmem>>, vector<1x1x304x85xf32>
    %swap3A_1457 = vector.shape_cast %swap3A_1456 : vector<1x1x304x85xf32> to vector<304x85xf32>
    %swap3A_1458 = vector.shape_cast %slice3A_1451 : vector<304x85xf32> to vector<1x1x304x85xf32>
    tpu.vector_store %arg4[%swap3A_1452, %swap3A_1453, %swap3A_1454, %swap3A_1455], %swap3A_1458 {strides = array<i32>} : memref<16x3x304x85xf32, #tpu.memory_space<vmem>>, vector<1x1x304x85xf32>,
    %slice3A_1459 = vector.extract_strided_slice %dot_general3A_1429 {offsets = [0, 128], sizes = [304, 128], strides = [1, 1]} : vector<304x384xf32> to vector<304x128xf32>
    %mul3A_1460 = vector.broadcast %select_n3A : vector<1x128xf32> to vector<304x128xf32>
    %mul3A_1461 = arith.mulf %slice3A_1459, %mul3A_1460 : vector<304x128xf32>
    %slice3A_1462 = vector.extract_strided_slice %get3A_4 {offsets = [0, 128], sizes = [1, 128], strides = [1, 1]} : vector<1x384xf32> to vector<1x128xf32>
    %add3A_1463 = vector.broadcast %slice3A_1462 : vector<1x128xf32> to vector<304x128xf32>
    %add3A_1464 = arith.addf %mul3A_1461, %add3A_1463 : vector<304x128xf32>
    %exp3A_1465 = math.exp %add3A_1464 : vector<304x128xf32>
    %add3A_1466 = arith.constant 1.000000e+00 : f32
    %add3A_1467 = vector.broadcast %add3A_1466 : f32 to vector<304x128xf32>
    %add3A_1468 = arith.addf %add3A_1467, %exp3A_1465 : vector<304x128xf32>
    %div3A_1469 = arith.constant 1.000000e+00 : f32
    %div3A_1470 = vector.broadcast %div3A_1469 : f32 to vector<304x128xf32>
    %div3A_1471 = arith.divf %div3A_1470, %add3A_1468 : vector<304x128xf32>
    %mul3A_1472 = vector.broadcast %select_n3A_34 : vector<1x128xf32> to vector<304x128xf32>
    %mul3A_1473 = arith.mulf %exp3A_1465, %mul3A_1472 : vector<304x128xf32>
    %mul3A_1474 = vector.broadcast %select_n3A_18 : vector<1x128xf32> to vector<304x128xf32>
    %mul3A_1475 = arith.mulf %div3A_1471, %mul3A_1474 : vector<304x128xf32>
    %add3A_1476 = arith.addf %mul3A_1475, %select_n3A_110 : vector<304x128xf32>
    %broadcast_in_dim3A_1477 = vector.shape_cast %or3A : vector<1x128xi1> to vector<1x128xi1>
    %broadcast_in_dim3A_1478 = vector.broadcast %broadcast_in_dim3A_1477 : vector<1x128xi1> to vector<304x128xi1>
    %select_n3A_1479 = arith.select %broadcast_in_dim3A_1478, %mul3A_1473, %add3A_1476 : vector<304x128xi1>, vector<304x128xf32>
    %slice3A_1480 = vector.extract_strided_slice %select_n3A_1479 {offsets = [0, 0], sizes = [304, 85], strides = [1, 1]} : vector<304x128xf32> to vector<304x85xf32>
    %swap3A_1481 = arith.constant 14 : index
    %swap3A_1482 = arith.constant 1 : index
    %swap3A_1483 = arith.constant 0 : index
    %swap3A_1484 = arith.constant 0 : index
    %swap3A_1485 = vector.load %arg4[%swap3A_1481, %swap3A_1482, %swap3A_1483, %swap3A_1484] : memref<16x3x304x85xf32, #tpu.memory_space<vmem>>, vector<1x1x304x85xf32>
    %swap3A_1486 = vector.shape_cast %swap3A_1485 : vector<1x1x304x85xf32> to vector<304x85xf32>
    %swap3A_1487 = vector.shape_cast %slice3A_1480 : vector<304x85xf32> to vector<1x1x304x85xf32>
    tpu.vector_store %arg4[%swap3A_1481, %swap3A_1482, %swap3A_1483, %swap3A_1484], %swap3A_1487 {strides = array<i32>} : memref<16x3x304x85xf32, #tpu.memory_space<vmem>>, vector<1x1x304x85xf32>,
    %slice3A_1488 = vector.extract_strided_slice %dot_general3A_1429 {offsets = [0, 256], sizes = [304, 128], strides = [1, 1]} : vector<304x384xf32> to vector<304x128xf32>
    %mul3A_1489 = vector.broadcast %select_n3A : vector<1x128xf32> to vector<304x128xf32>
    %mul3A_1490 = arith.mulf %slice3A_1488, %mul3A_1489 : vector<304x128xf32>
    %slice3A_1491 = vector.extract_strided_slice %get3A_4 {offsets = [0, 256], sizes = [1, 128], strides = [1, 1]} : vector<1x384xf32> to vector<1x128xf32>
    %add3A_1492 = vector.broadcast %slice3A_1491 : vector<1x128xf32> to vector<304x128xf32>
    %add3A_1493 = arith.addf %mul3A_1490, %add3A_1492 : vector<304x128xf32>
    %exp3A_1494 = math.exp %add3A_1493 : vector<304x128xf32>
    %add3A_1495 = arith.constant 1.000000e+00 : f32
    %add3A_1496 = vector.broadcast %add3A_1495 : f32 to vector<304x128xf32>
    %add3A_1497 = arith.addf %add3A_1496, %exp3A_1494 : vector<304x128xf32>
    %div3A_1498 = arith.constant 1.000000e+00 : f32
    %div3A_1499 = vector.broadcast %div3A_1498 : f32 to vector<304x128xf32>
    %div3A_1500 = arith.divf %div3A_1499, %add3A_1497 : vector<304x128xf32>
    %mul3A_1501 = vector.broadcast %select_n3A_42 : vector<1x128xf32> to vector<304x128xf32>
    %mul3A_1502 = arith.mulf %exp3A_1494, %mul3A_1501 : vector<304x128xf32>
    %mul3A_1503 = vector.broadcast %select_n3A_18 : vector<1x128xf32> to vector<304x128xf32>
    %mul3A_1504 = arith.mulf %div3A_1500, %mul3A_1503 : vector<304x128xf32>
    %add3A_1505 = arith.addf %mul3A_1504, %select_n3A_110 : vector<304x128xf32>
    %broadcast_in_dim3A_1506 = vector.shape_cast %or3A : vector<1x128xi1> to vector<1x128xi1>
    %broadcast_in_dim3A_1507 = vector.broadcast %broadcast_in_dim3A_1506 : vector<1x128xi1> to vector<304x128xi1>
    %select_n3A_1508 = arith.select %broadcast_in_dim3A_1507, %mul3A_1502, %add3A_1505 : vector<304x128xi1>, vector<304x128xf32>
    %slice3A_1509 = vector.extract_strided_slice %select_n3A_1508 {offsets = [0, 0], sizes = [304, 85], strides = [1, 1]} : vector<304x128xf32> to vector<304x85xf32>
    %swap3A_1510 = arith.constant 14 : index
    %swap3A_1511 = arith.constant 2 : index
    %swap3A_1512 = arith.constant 0 : index
    %swap3A_1513 = arith.constant 0 : index
    %swap3A_1514 = vector.load %arg4[%swap3A_1510, %swap3A_1511, %swap3A_1512, %swap3A_1513] : memref<16x3x304x85xf32, #tpu.memory_space<vmem>>, vector<1x1x304x85xf32>
    %swap3A_1515 = vector.shape_cast %swap3A_1514 : vector<1x1x304x85xf32> to vector<304x85xf32>
    %swap3A_1516 = vector.shape_cast %slice3A_1509 : vector<304x85xf32> to vector<1x1x304x85xf32>
    tpu.vector_store %arg4[%swap3A_1510, %swap3A_1511, %swap3A_1512, %swap3A_1513], %swap3A_1516 {strides = array<i32>} : memref<16x3x304x85xf32, #tpu.memory_space<vmem>>, vector<1x1x304x85xf32>,
    %get3A_1517 = arith.constant 0 : index
    %get3A_1518 = arith.constant 15 : index
    %get3A_1519 = arith.constant 0 : index
    %get3A_1520 = vector.load %arg1[%get3A_1517, %get3A_1518, %get3A_1519] : memref<304x16x128xf32, #tpu.memory_space<vmem>>, vector<304x1x128xf32>
    %get3A_1521 = vector.shape_cast %get3A_1520 : vector<304x1x128xf32> to vector<304x128xf32>
    %dot_general3A_1522 = arith.constant dense<0.000000e+00> : vector<304x384xf32>
    %dot_general3A_1523 = tpu.matmul %get3A_1521, %get3A_1, %dot_general3A_1522 {dimension_numbers = #tpu.dot_dimension_numbers<[1], [1], [0], [0], [0, 0, 1, 0], [], []>, transpose_lhs_hint = false} : vector<304x128xf32>, vector<384x128xf32>, vector<304x384xf32> -> vector<304x384xf32>
    %slice3A_1524 = vector.extract_strided_slice %dot_general3A_1523 {offsets = [0, 0], sizes = [304, 128], strides = [1, 1]} : vector<304x384xf32> to vector<304x128xf32>
    %mul3A_1525 = vector.broadcast %select_n3A : vector<1x128xf32> to vector<304x128xf32>
    %mul3A_1526 = arith.mulf %slice3A_1524, %mul3A_1525 : vector<304x128xf32>
    %slice3A_1527 = vector.extract_strided_slice %get3A_4 {offsets = [0, 0], sizes = [1, 128], strides = [1, 1]} : vector<1x384xf32> to vector<1x128xf32>
    %add3A_1528 = vector.broadcast %slice3A_1527 : vector<1x128xf32> to vector<304x128xf32>
    %add3A_1529 = arith.addf %mul3A_1526, %add3A_1528 : vector<304x128xf32>
    %exp3A_1530 = math.exp %add3A_1529 : vector<304x128xf32>
    %add3A_1531 = arith.constant 1.000000e+00 : f32
    %add3A_1532 = vector.broadcast %add3A_1531 : f32 to vector<304x128xf32>
    %add3A_1533 = arith.addf %add3A_1532, %exp3A_1530 : vector<304x128xf32>
    %div3A_1534 = arith.constant 1.000000e+00 : f32
    %div3A_1535 = vector.broadcast %div3A_1534 : f32 to vector<304x128xf32>
    %div3A_1536 = arith.divf %div3A_1535, %add3A_1533 : vector<304x128xf32>
    %mul3A_1537 = vector.broadcast %select_n3A_26 : vector<1x128xf32> to vector<304x128xf32>
    %mul3A_1538 = arith.mulf %exp3A_1530, %mul3A_1537 : vector<304x128xf32>
    %mul3A_1539 = vector.broadcast %select_n3A_18 : vector<1x128xf32> to vector<304x128xf32>
    %mul3A_1540 = arith.mulf %div3A_1536, %mul3A_1539 : vector<304x128xf32>
    %add3A_1541 = arith.addf %mul3A_1540, %select_n3A_110 : vector<304x128xf32>
    %broadcast_in_dim3A_1542 = vector.shape_cast %or3A : vector<1x128xi1> to vector<1x128xi1>
    %broadcast_in_dim3A_1543 = vector.broadcast %broadcast_in_dim3A_1542 : vector<1x128xi1> to vector<304x128xi1>
    %select_n3A_1544 = arith.select %broadcast_in_dim3A_1543, %mul3A_1538, %add3A_1541 : vector<304x128xi1>, vector<304x128xf32>
    %slice3A_1545 = vector.extract_strided_slice %select_n3A_1544 {offsets = [0, 0], sizes = [304, 85], strides = [1, 1]} : vector<304x128xf32> to vector<304x85xf32>
    %swap3A_1546 = arith.constant 15 : index
    %swap3A_1547 = arith.constant 0 : index
    %swap3A_1548 = arith.constant 0 : index
    %swap3A_1549 = arith.constant 0 : index
    %swap3A_1550 = vector.load %arg4[%swap3A_1546, %swap3A_1547, %swap3A_1548, %swap3A_1549] : memref<16x3x304x85xf32, #tpu.memory_space<vmem>>, vector<1x1x304x85xf32>
    %swap3A_1551 = vector.shape_cast %swap3A_1550 : vector<1x1x304x85xf32> to vector<304x85xf32>
    %swap3A_1552 = vector.shape_cast %slice3A_1545 : vector<304x85xf32> to vector<1x1x304x85xf32>
    tpu.vector_store %arg4[%swap3A_1546, %swap3A_1547, %swap3A_1548, %swap3A_1549], %swap3A_1552 {strides = array<i32>} : memref<16x3x304x85xf32, #tpu.memory_space<vmem>>, vector<1x1x304x85xf32>,
    %slice3A_1553 = vector.extract_strided_slice %dot_general3A_1523 {offsets = [0, 128], sizes = [304, 128], strides = [1, 1]} : vector<304x384xf32> to vector<304x128xf32>
    %mul3A_1554 = vector.broadcast %select_n3A : vector<1x128xf32> to vector<304x128xf32>
    %mul3A_1555 = arith.mulf %slice3A_1553, %mul3A_1554 : vector<304x128xf32>
    %slice3A_1556 = vector.extract_strided_slice %get3A_4 {offsets = [0, 128], sizes = [1, 128], strides = [1, 1]} : vector<1x384xf32> to vector<1x128xf32>
    %add3A_1557 = vector.broadcast %slice3A_1556 : vector<1x128xf32> to vector<304x128xf32>
    %add3A_1558 = arith.addf %mul3A_1555, %add3A_1557 : vector<304x128xf32>
    %exp3A_1559 = math.exp %add3A_1558 : vector<304x128xf32>
    %add3A_1560 = arith.constant 1.000000e+00 : f32
    %add3A_1561 = vector.broadcast %add3A_1560 : f32 to vector<304x128xf32>
    %add3A_1562 = arith.addf %add3A_1561, %exp3A_1559 : vector<304x128xf32>
    %div3A_1563 = arith.constant 1.000000e+00 : f32
    %div3A_1564 = vector.broadcast %div3A_1563 : f32 to vector<304x128xf32>
    %div3A_1565 = arith.divf %div3A_1564, %add3A_1562 : vector<304x128xf32>
    %mul3A_1566 = vector.broadcast %select_n3A_34 : vector<1x128xf32> to vector<304x128xf32>
    %mul3A_1567 = arith.mulf %exp3A_1559, %mul3A_1566 : vector<304x128xf32>
    %mul3A_1568 = vector.broadcast %select_n3A_18 : vector<1x128xf32> to vector<304x128xf32>
    %mul3A_1569 = arith.mulf %div3A_1565, %mul3A_1568 : vector<304x128xf32>
    %add3A_1570 = arith.addf %mul3A_1569, %select_n3A_110 : vector<304x128xf32>
    %broadcast_in_dim3A_1571 = vector.shape_cast %or3A : vector<1x128xi1> to vector<1x128xi1>
    %broadcast_in_dim3A_1572 = vector.broadcast %broadcast_in_dim3A_1571 : vector<1x128xi1> to vector<304x128xi1>
    %select_n3A_1573 = arith.select %broadcast_in_dim3A_1572, %mul3A_1567, %add3A_1570 : vector<304x128xi1>, vector<304x128xf32>
    %slice3A_1574 = vector.extract_strided_slice %select_n3A_1573 {offsets = [0, 0], sizes = [304, 85], strides = [1, 1]} : vector<304x128xf32> to vector<304x85xf32>
    %swap3A_1575 = arith.constant 15 : index
    %swap3A_1576 = arith.constant 1 : index
    %swap3A_1577 = arith.constant 0 : index
    %swap3A_1578 = arith.constant 0 : index
    %swap3A_1579 = vector.load %arg4[%swap3A_1575, %swap3A_1576, %swap3A_1577, %swap3A_1578] : memref<16x3x304x85xf32, #tpu.memory_space<vmem>>, vector<1x1x304x85xf32>
    %swap3A_1580 = vector.shape_cast %swap3A_1579 : vector<1x1x304x85xf32> to vector<304x85xf32>
    %swap3A_1581 = vector.shape_cast %slice3A_1574 : vector<304x85xf32> to vector<1x1x304x85xf32>
    tpu.vector_store %arg4[%swap3A_1575, %swap3A_1576, %swap3A_1577, %swap3A_1578], %swap3A_1581 {strides = array<i32>} : memref<16x3x304x85xf32, #tpu.memory_space<vmem>>, vector<1x1x304x85xf32>,
    %slice3A_1582 = vector.extract_strided_slice %dot_general3A_1523 {offsets = [0, 256], sizes = [304, 128], strides = [1, 1]} : vector<304x384xf32> to vector<304x128xf32>
    %mul3A_1583 = vector.broadcast %select_n3A : vector<1x128xf32> to vector<304x128xf32>
    %mul3A_1584 = arith.mulf %slice3A_1582, %mul3A_1583 : vector<304x128xf32>
    %slice3A_1585 = vector.extract_strided_slice %get3A_4 {offsets = [0, 256], sizes = [1, 128], strides = [1, 1]} : vector<1x384xf32> to vector<1x128xf32>
    %add3A_1586 = vector.broadcast %slice3A_1585 : vector<1x128xf32> to vector<304x128xf32>
    %add3A_1587 = arith.addf %mul3A_1584, %add3A_1586 : vector<304x128xf32>
    %exp3A_1588 = math.exp %add3A_1587 : vector<304x128xf32>
    %add3A_1589 = arith.constant 1.000000e+00 : f32
    %add3A_1590 = vector.broadcast %add3A_1589 : f32 to vector<304x128xf32>
    %add3A_1591 = arith.addf %add3A_1590, %exp3A_1588 : vector<304x128xf32>
    %div3A_1592 = arith.constant 1.000000e+00 : f32
    %div3A_1593 = vector.broadcast %div3A_1592 : f32 to vector<304x128xf32>
    %div3A_1594 = arith.divf %div3A_1593, %add3A_1591 : vector<304x128xf32>
    %mul3A_1595 = vector.broadcast %select_n3A_42 : vector<1x128xf32> to vector<304x128xf32>
    %mul3A_1596 = arith.mulf %exp3A_1588, %mul3A_1595 : vector<304x128xf32>
    %mul3A_1597 = vector.broadcast %select_n3A_18 : vector<1x128xf32> to vector<304x128xf32>
    %mul3A_1598 = arith.mulf %div3A_1594, %mul3A_1597 : vector<304x128xf32>
    %add3A_1599 = arith.addf %mul3A_1598, %select_n3A_110 : vector<304x128xf32>
    %broadcast_in_dim3A_1600 = vector.shape_cast %or3A : vector<1x128xi1> to vector<1x128xi1>
    %broadcast_in_dim3A_1601 = vector.broadcast %broadcast_in_dim3A_1600 : vector<1x128xi1> to vector<304x128xi1>
    %select_n3A_1602 = arith.select %broadcast_in_dim3A_1601, %mul3A_1596, %add3A_1599 : vector<304x128xi1>, vector<304x128xf32>
    %slice3A_1603 = vector.extract_strided_slice %select_n3A_1602 {offsets = [0, 0], sizes = [304, 85], strides = [1, 1]} : vector<304x128xf32> to vector<304x85xf32>
    %swap3A_1604 = arith.constant 15 : index
    %swap3A_1605 = arith.constant 2 : index
    %swap3A_1606 = arith.constant 0 : index
    %swap3A_1607 = arith.constant 0 : index
    %swap3A_1608 = vector.load %arg4[%swap3A_1604, %swap3A_1605, %swap3A_1606, %swap3A_1607] : memref<16x3x304x85xf32, #tpu.memory_space<vmem>>, vector<1x1x304x85xf32>
    %swap3A_1609 = vector.shape_cast %swap3A_1608 : vector<1x1x304x85xf32> to vector<304x85xf32>
    %swap3A_1610 = vector.shape_cast %slice3A_1603 : vector<304x85xf32> to vector<1x1x304x85xf32>
    tpu.vector_store %arg4[%swap3A_1604, %swap3A_1605, %swap3A_1606, %swap3A_1607], %swap3A_1610 {strides = array<i32>} : memref<16x3x304x85xf32, #tpu.memory_space<vmem>>, vector<1x1x304x85xf32>,
    return
  }
  func.func @transform_0(%arg0: i32) -> (i32, i32, i32) {
    %c0_i32 = arith.constant 0 : i32
    %c0_i32_0 = arith.constant 0 : i32
    %c0_i32_1 = arith.constant 0 : i32
    return %arg0, %c0_i32, %c0_i32_0 : i32, i32, i32
  }
  func.func @transform_1(%arg0: i32) -> (i32, i32) {
    %c0_i32 = arith.constant 0 : i32
    %c0_i32_0 = arith.constant 0 : i32
    %c0_i32_1 = arith.constant 0 : i32
    return %c0_i32, %c0_i32_0 : i32, i32
  }
  func.func @transform_2(%arg0: i32) -> (i32, i32) {
    %c0_i32 = arith.constant 0 : i32
    %c0_i32_0 = arith.constant 0 : i32
    %c0_i32_1 = arith.constant 0 : i32
    return %c0_i32, %c0_i32_0 : i32, i32
  }
  func.func @transform_3(%arg0: i32) -> (i32, i32, i32, i32) {
    %c0_i32 = arith.constant 0 : i32
    %c0_i32_0 = arith.constant 0 : i32
    %c0_i32_1 = arith.constant 0 : i32
    %c0_i32_2 = arith.constant 0 : i32
    return %c0_i32, %c0_i32_0, %arg0, %c0_i32_1 : i32, i32, i32, i32
  }
}

</mosaic_0001>

<sc_bundles>
// kernel: sparse-core-data-format-call.cloned.1.call-start
scs
called_computation_lowered:
.L_overlay_start_0:
0x0: {  	s2 =	sld [smem:$0x3FD9]  }
0x1: {  	s3 =	sld [smem:$0x3FFE];
	_ =	sdelay $0x1  }
0x2: {  	s1 =	srdreg.scid  }
0x3: {  	s0 =	sand.u32 $0x1, s1  }
0x4: {  	s18 =	sshll.u32 s0, $0xA;
	s2 =	sadd.s32 s3, s2  }
0x5: {  	s2 =	sadd.s32 s2, s18  }
0x6: {  	[smem:$0x3FC5] =	sst s2  }
0x7: {  	_ = 	snop  }
0x8: {  	s2 =	sld [smem:$0x3FD0];
	(tm) =	ssettm $0x1  }
0x9: {  	s19 =	sld [smem:$0x3FFB];
	_ =	sdelay $0x3  }
0xa: {  	_ =	strace s19  }
0xb: {  	s3 =	sld [smem:$0x3FFC];
	_ =	sdelay $0x3  }
0xc: {  	_ =	strace s3  }
0xd: {  	s3 =	sld [smem:$0x3FFD];
	_ =	sdelay $0x3  }
0xe: {  	_ =	strace s3  }
0xf: {  	_ =	strace $0x8FFFFFFF  }
0x10: {  	s20 =	sld [smem:$0x3FDB];
	_ =	sdelay $0x1  }
0x11: {  	s4 =	simm.s32 $_scs_section_size  }
0x12: {  	s5 =	simm.s32 $_size__tile_overlayer_lowered;
	s6 =	simm.s32 $_tile_overlayer_lowered  }
0x13: {  	s23 =	simm.s32 $0x1BFF;
	s22 =	sshll.u32 s6, $0x1;
	s3 =	sadd.s32 s4, s20  }
0x14: {  	s7 =	simm.s32 $0x0;
	s21 =	sshll.u32 s5, $0x1;
	s5 =	sadd.s32 s22, s3  }
0x15: {  	[timem:s7], [sflag:s23] =	dma.local [hbm:s5], s21  }
0x16: {  	_ =	swait.ge [sflag:s23], s21  }
0x17: {  	s4 =	ssub.s32 $0x0, s21;
	[sflag:s23] =	ssyncset.done $0x0  }
0x18: {  	[sflag:s23] =	ssyncadd.s32 s4;
	_ =	sdelay $0x1  }
0x19: {  	s24 =	simm.s32 $0x1B8B  }
0x1a: {  	_ =	swait.ge [sflag:s24], $0x1  }
0x1b: {  	[sflag:s24] =	ssyncset.done $0x0  }
0x1c: {  	s26 =	simm.s32 $0x1B8E;
	s25 =	sld [smem:$0x3FFE];
	[sflag:s24] =	ssyncadd.s32 $0xFFFFFFFF  }
0x1d: {  	s27 =	simm.s32 $execute0_lowered;
	[smem:$0x3FD2] =	sst s26  }
0x1e: {  	s5 =	sshll.u32 s27, $0x1;
	_ =	strace $0x80000046;
	[dreg:$0x1] =	wrdreg $0xFFFFFFFF  }
0x1f: {  	s28 =	simm.s32 $_size_execute0_lowered;
	s3 =	sadd.s32 s3, s5;
	[dreg:$0x0] =	wrdreg $0x0  }
0x20: {  	s5 =	sshll.u32 s28, $0x1;
	[dreg:$0x2] =	wrdreg s3  }
0x21: {  	[dreg:$0x3] =	wrdreg s5  }
0x22: {  	[dreg:$0x4] =	wrdreg $0xC0  }
0x23: {  	_ =	task [dreg:s7], $0x5FFFF  }
0x24: {  	[dreg:$0x1] =	wrdreg $0xFFFFFFFF  }
0x25: {  	[dreg:$0x0] =	wrdreg $0x60  }
0x26: {  	[dreg:$0x2] =	wrdreg s25  }
0x27: {  	[dreg:$0x3] =	wrdreg s2  }
0x28: {  	[dreg:$0x4] =	wrdreg $0x9  }
0x29: {  	_ =	task.clear_ibuf [dreg:s7], $0x5FFFF;
	_ =	strace $0x90000046  }
0x2a: {  	s29 =	simm.s32 $0x9;
	_ =	strace $0x80000048  }
0x2b: {  	_ =	swait.ge [sflag:s29], $0x1  }
0x2c: {  	[sflag:s29] =	ssyncadd.s32 $0xFFFFFFFF  }
0x2d: {  	_ =	strace $0x90000048  }
0x2e: {  	_ =	sfence  }
0x2f: {  	s30 =	sld [smem:$0x0];
	_ =	sdelay $0x2  }
0x30: {  	s31 =	sshll.u32 s1, $0xD;
	s1 =	sshrl.u32 s1, $0x2  }
0x31: {  	s3 =	sand.u32 $0x4000, s31;
	s1 =	sadd.s32 s1, s30  }
0x32: {  	s0 =	sor.u32 s3, s0;
	s1 =	sshll.u32 s1, $0x11  }
0x33: {  	s0 =	sor.u32 s1, s0  }
0x34: {  	s0 =	sadd.s32 $0x8F2B, s0  }
0x35: {  	[sflag:s0] =	ssyncadd.remote.s32 $0x1  }
0x36: {  	_ =	sfence.sel $0xFFFF  }
0x37: {  	[dreg:$0x0] =	wrdreg $0xFFFFFFFF;
	(pc) =	sbr.abs _section_cstart, $3  }
0x38: {  	[dreg:$0x1] =	wrdreg $0xFFFFFFFF  }
0x39: {  	_ =	task.clear_ibuf [dreg:s7], $0x2FFFF;
	_ =	strace $0x9FFFFFFF  }
0x3a: {  	(tm) =	ssettm $0x7FFFFFFF  }
0x3b: {  	_ =	shalt  }
tec
execute0_lowered:
.L_overlay_start_1:
0x0: {  	(tag) =	ssettag $0x1  }
0x1: {  	s0 =	rddreg [dreg:$0x0];
	_ =	strace $0x80000047  }
0x2: {  	s17 =	stileid.u32;
	s31 =	srdreg.scid;
	s4 =	simm.s32 $0x1  }
.Ltmp0:
0x3: {  	s2 =	simm.s32 $0x2;
	s12 =	simm.s32 $0x0;
	(pc) =	sbr.rel .LBB1_1-.Ltmp0, $4  }
0x4: {  	s13 =	simm.s32 $0x0;
	s8 =	simm.s32 $0x0;
	s10 =	simm.s32 $0x0  }
0x5: {  	s11 =	stileid.u32;
	s3 =	sadd.s32 $0x400, s0;
	s0 =	sshll.u32 s31, $0x7  }
0x6: {  	s7 =	simm.s32 $0x0;
	[sflag:s4] =	ssyncpa.u1 $0x0;
	s5 =	sand.u32 $0x80, s0  }
0x7: {  	s21 =	simm.s32 $0x0;
	[sflag:s2] =	ssyncpa.u1 $0x0;
	s9 =	smov.u32 s5  }
.LBB1_11:
0x8: {  	s0 =	sshrl.u32 s10, $0x3;
	s1 =	sshll.u32 s8, $0x3  }
0x9: {  	s2 =	sshll.u32 s10, $0x7;
	s6 =	sand.u32 $0x7F, s8;
	s0 =	smul.u32 $0x22000, s0  }
0xa: {  	p0 =	sgt.s32 s8, $0x4380;
	s1 =	sand.u32 $0xFFFFFC00, s1;
	s2 =	sand.u32 $0x380, s2  }
0xb: {  	s27 =	sor.u32 s6, s2;
	s2 =	smov.u32 s8;
	s0 =	sadd.s32 s0, s1  }
0xc: {  	s2 =	simm.s32 @!p0 $0x4380;
	s1 =	sor.u32 s0, s27  }
0xd: {  	s2 =	sadd.s32 s15, s2;
	s28 =	smulhi.u32 $0xF0F0F0F1, s1  }
0xe: {  	s29 =	rddreg [dreg:$0x1];
	s0 =	smulhi.u32 $0xF0F0F0F1, s0;
	s15 =	sadd.s32 $0xFFFFBC80, s2  }
0xf: {  	s2 =	ssub.s32 $0x4400, s2;
	p0 =	sgt.s32 s15, $0x7F;
	s6 =	sshrl.u32 s28, $0xE  }
0x10: {  	s0 =	sshrl.u32 s0, $0xE;
	s2 =	simm.s32 @p0 $0x0;
	s6 =	smul.u32 $0x4400, s6  }
0x11: {  	s30 =	sor.u32 $0x8000, s16;
	s0 =	sand.u32 $0xF, s0;
	s2 =	smul.u32 s2, s14  }
0x12: {  	s31 =	simm.s32 $0x44000;
	s0 =	smul.u32 $0x880, s0;
	s1 =	ssub.s32 s1, s6  }
0x13: {  	s2 =	smul.u32 $0x55, s2;
	s6 =	sshrl.u32 s1, $0x3;
	s1 =	sand.u32 $0x7, s1  }
0x14: {  	s17 =	stileid.u32;
	s6 =	sadd.s32 s29, s6;
	s1 =	sshll.u32 s1, $0x12  }
0x15: {  	s2 =	sand.u32 $0x3FFFFFFF, s2;
	s0 =	sadd.s32 s0, s6;
	s1 =	sor.u32 $0x80, s1  }
0x16: {  	[hbm4b:s0+s1] =	stream.strided.scatter [tilespmem:s30], [sflag:$0x2], s2, s31, s1, $0x20;
	[tilespmem:$0x10100] =	vst v63  }
.LBB1_12:
0x17: {  	p0 =	slt.u32 s7, $0x2  }
0x18: {  	s1 =	smov.u32 s13;
	s2 =	smov.u32 s12;
	p1 =	sgt.s32 @!p0 s13, $0xF  }
0x19: {  	s0 =	sshra.s32 @!p0 s13, $0x1F;
	p2 =	sgt.s32 @!p0 s12, $0x4380;
	s6 =	sshra.s32 @!p0 s12, $0x1F  }
0x1a: {  	p1 =	por !p1, p0;
	s0 =	sand.u32 @!p0 s0, s13;
	p2 =	por !p2, p0  }
0x1b: {  	s6 =	sand.u32 @!p0 s6, s12;
	s1 =	simm.s32 @p1 $0xF;
	s2 =	simm.s32 @p2 $0x4380  }
0x1c: {  	s0 =	ssub.s32 @!p0 s1, s0;
	s1 =	ssub.s32 @!p0 s2, s6  }
0x1d: {  	s2 =	sadd.s32 @!p0 $0xFFFFFFF1, s0;
	s0 =	ssub.s32 @!p0 $0x10, s0;
	s6 =	sadd.s32 @!p0 $0xFFFFBC80, s1  }
0x1e: {  	p1 =	sgt.s32 @!p0 s2, $0x0;
	s0 =	smul.u32 @!p0 $0x55, s0;
	p2 =	sgt.s32 @!p0 s6, $0x7F  }
0x1f: {  	s1 =	ssub.s32 @!p0 $0x4400, s1;
	p1 =	por !p1, p0;
	p2 =	por !p2, p0  }
0x20: {  	s0 =	simm.s32 @!p1 $0x0;
	s1 =	simm.s32 @!p2 $0x0  }
0x21: {  	s0 =	smul.u32 @!p0 s1, s0;
	s1 =	sadd.s32 $0x100, s9  }
0x22: {  	s14 =	smov.u32 s11;
	s6 =	sadd.s32 $0x10, s11;
	p1 =	sgt.s32 s1, $0x43AF  }
0x23: {  	s14 =	smov.u32 @p1 s6  }
0x24: {  	s7 =	sadd.s32 $0x1, s7;
	s1 =	smov.u32 @p1 s5;
	p1 =	sgt.s32 s14, $0xF  }
0x25: {  	s14 =	smov.u32 @p1 s17;
	p1 =	sne.s32 s7, $0x46  }
.Ltmp1:
0x26: {  	_ = 	snop;
	(pc) =	sbr.rel @!p1 .LBB1_13-.Ltmp1, $4  }
0x27: {  	s12 =	smov.u32 s8;
	s2 =	simm.s32 @!p0 $0x2;
	s0 =	sand.u32 @!p0 $0x3FFFFFFF, s0  }
0x28: {  	s13 =	smov.u32 s10;
	s8 =	smov.u32 s9;
	_ =	swait.ge @!p0 [sflag:s2], s0  }
0x29: {  	s10 =	smov.u32 s11;
	s0 =	ssub.s32 @!p0 $0x0, s0;
	[sflag:s2] =	ssyncset.done @!p0 $0x0  }
0x2a: {  	s9 =	smov.u32 s1;
	[sflag:s2] =	ssyncadd.s32 @!p0 s0;
	s11 =	smov.u32 s14  }
.LBB1_1:
0x2b: {  	p0 =	sgt.u32 s7, $0x43;
	s2 =	smov.u32 s11  }
0x2c: {  	s15 =	smov.u32 s9;
	p1 =	sgt.s32 @!p0 s11, $0xF;
	s0 =	sand.u32 @!p0 $0x1FFFFFF, s9  }
0x2d: {  	s14 =	sshra.s32 @!p0 s11, $0x1F;
	s16 =	sshra.s32 @!p0 s9, $0x1F;
	p1 =	por !p1, p0  }
0x2e: {  	s6 =	smulhi.u32 @!p0 $0x7906DB, s0;
	s2 =	simm.s32 @p1 $0xF;
	p1 =	sgt.s32 @!p0 s9, $0x4330  }
0x2f: {  	s14 =	sand.u32 @!p0 s14, s11;
	s16 =	sand.u32 @!p0 s16, s9;
	p1 =	por !p1, p0  }
0x30: {  	s2 =	ssub.s32 @!p0 s2, s14;
	s6 =	sshrl.u32 @!p0 s6, $0x5;
	s15 =	simm.s32 @p1 $0x4330  }
0x31: {  	s2 =	sadd.s32 @!p0 $0xFFFFFFF1, s2;
	s6 =	smul.u32 @!p0 $0x43B0, s6;
	s14 =	ssub.s32 @!p0 s15, s16  }
0x32: {  	p1 =	sgt.s32 @!p0 s2, $0x0;
	s2 =	sshll.u32 @!p0 s2, $0x7;
	s15 =	sadd.s32 @!p0 $0xFFFFBCD0, s14  }
0x33: {  	s16 =	smul.u32 @!p0 $0x43B00, s11;
	s14 =	ssub.s32 @!p0 $0x43B0, s14;
	p2 =	sgt.s32 @!p0 s15, $0x7F  }
0x34: {  	s2 =	ssub.s32 @!p0 $0x80, s2;
	p1 =	por !p1, p0;
	p2 =	por !p2, p0  }
0x35: {  	s15 =	sxor.u32 @!p0 $0xFFFFFFFF, s7;
	s2 =	simm.s32 @!p1 $0x0;
	s14 =	simm.s32 @!p2 $0x0  }
0x36: {  	s0 =	ssub.s32 @!p0 s0, s6;
	s6 =	sshll.u32 @!p0 s15, $0xE;
	s2 =	smul.u32 @!p0 s14, s2  }
0x37: {  	s0 =	sshll.u32 @!p0 s0, $0x4;
	s6 =	sand.u32 @!p0 $0x4000, s6;
	s14 =	sadd.s32 @!p0 s3, s16  }
0x38: {  	s0 =	sadd.s32 @!p0 s0, s14;
	s14 =	simm.s32 @!p0 $0x0;
	s2 =	sand.u32 @!p0 $0x3FFFFF80, s2  }
0x39: {  	[tilespmem:s6], [sflag:$0x1] =	stream.linear.gather @!p0 [hbm4b:s0+s14], s2, $0x38;
	[tilespmem:$0x10100] =	vst v63  }
0x3a: {  	p0 =	seq.s32 s7, $0x0  }
0x3b: {  	p1 =	seq.s32 @!p0 s7, $0x45  }
0x3c: {  	p0 =	por p0, p1  }
.Ltmp2:
0x3d: {  	_ = 	snop;
	(pc) =	sbr.rel @p0 .LBB1_12-.Ltmp2, $1  }
0x3e: {  	_ =	sdelay $0x3  }
0x3f: {  	p0 =	sgt.s32 s10, $0xF  }
0x40: {  	s0 =	smov.u32 s10;
	s2 =	sshra.s32 s10, $0x1F;
	s6 =	ssub.s32 $0x0, s8  }
0x41: {  	s14 =	sshra.s32 s8, $0x1F;
	s0 =	simm.s32 @!p0 $0xF;
	s2 =	sand.u32 s2, s10  }
0x42: {  	s16 =	smov.u32 s8;
	p0 =	sgt.s32 s8, $0x4330;
	s0 =	ssub.s32 s0, s2  }
0x43: {  	s15 =	sand.u32 s6, s14;
	s16 =	simm.s32 @!p0 $0x4330;
	s2 =	sadd.s32 $0xFFFFFFF1, s0  }
0x44: {  	s6 =	sadd.s32 s15, s16;
	s14 =	ssub.s32 $0x10, s0;
	p0 =	sgt.s32 s2, $0x0  }
0x45: {  	s30 =	sadd.s32 $0xFFFFBCD0, s6;
	s0 =	ssub.s32 $0x43B0, s6;
	s2 =	sadd.s32 $0x1, s10  }
0x46: {  	s6 =	sadd.s32 $0x80, s8;
	s14 =	simm.s32 @p0 $0x0;
	p0 =	slt.s32 s2, $0x10  }
0x47: {  	s2 =	simm.s32 @!p0 $0x10;
	p0 =	slt.s32 s6, $0x43B0  }
0x48: {  	p1 =	sgt.s32 s30, $0x7F;
	s17 =	ssub.s32 s2, s10;
	s6 =	simm.s32 @!p0 $0x43B0  }
0x49: {  	s0 =	simm.s32 @p1 $0x0;
	s18 =	ssub.s32 s6, s8;
	p0 =	slt.s32 s17, $0x1  }
0x4a: {  	s0 =	smul.u32 s0, s14;
	p1 =	slt.s32 @!p0 s18, $0x1  }
0x4b: {  	p1 =	por p0, p1  }
.Ltmp3:
0x4c: {  	s0 =	sshll.u32 s0, $0x7;
	(pc) =	sbr.rel @p1 .LBB1_11-.Ltmp3, $4  }
0x4d: {  	s31 =	sand.u32 $0x3FFFFF80, s0  }
0x4e: {  	_ =	swait.ge [sflag:s4], s31  }
0x4f: {  	s0 =	sand.u32 $0x1, s7;
	s2 =	ssub.s32 $0x0, s31;
	[sflag:s4] =	ssyncset.done $0x0  }
0x50: {  	s16 =	smul.u32 $0x4080, s0;
	[sflag:s4] =	ssyncadd.s32 s2  }
0x51: {  	_ = 	snop  }
0x52: {  	s19 =	sshll.u32 @!p0 s0, $0xE;
	s22 =	simm.s32 $0x0;
	s20 =	sor.u32 @!p0 $0x8000, s16  }
.LBB1_4:
0x53: {  	s0 =	sshll.u32 s22, $0x10  }
0x54: {  	s0 =	sshra.s32 s0, $0x2  }
0x55: {  	s0 =	sadd.s32 s0, s19  }
0x56: {  	v0 =	vmov s0;
	_ =	sdelay $0x2  }
0x57: {  	s30 =	sand.u32 $0x7, s22  }
0x58: {  	s31 =	sand.u32 $0x3F80, s21;
	p1 =	sne.s32 s18, $0x1;
	s0 =	smul.u32 $0x204, s30  }
.Ltmp4:
0x59: {  	v11 =	vld.idx.msk [tilespmem:v0+s31+$0x0 ss:$0x1], $0xffff;
	(pc) =	sbr.rel @!p1 .LBB1_5-.Ltmp4, $4  }
0x5a: {  	s2 =	simm.s32 $0x1;
	s0 =	sshrl.u32 s0, $0x2;
	v8 =	vld.idx.msk [tilespmem:v0+s31+$0x10 ss:$0x1], $0xffff  }
0x5b: {  	s6 =	simm.s32 $0x80;
	p0 =	por $0x0, $0x0;
	s28 =	sadd.s32 s0, s20;
	v9 =	vld.idx.msk [tilespmem:v0+s31+$0x20 ss:$0x1], $0xffff  }
0x5c: {  	s0 =	sand.u32 $0x7F, s21;
	s26 =	sadd.s32 $0x810, s28;
	s27 =	sadd.s32 $0x1020, s28;
	v10 =	vld.idx.msk [tilespmem:v0+s31+$0x30 ss:$0x1], $0xffff  }
0x5d: {  	s25 =	sadd.s32 $0x1830, s28;
	s24 =	sadd.s32 $0x2040, s28;
	s23 =	sadd.s32 $0x2850, s28;
	v7 =	vld.idx.msk [tilespmem:v0+s31+$0x40 ss:$0x1], $0xffff  }
0x5e: {  	_ =	sdelay $0x3  }
0x5f: {  	s30 =	sand.u32 $0x3F80, s6;
	s1 =	sadd.s32 s0, s28;
	v1 =	vld.idx.msk [tilespmem:v0+s31+$0x50 ss:$0x1], $0xffff;
	p1 =	sne.s32 s18, $0x2  }
.Ltmp5:
0x60: {  	v2 =	vld.idx.msk [tilespmem:v0+s30+$0x0 ss:$0x1], $0xffff;
	[tilespmem:s1+$0x0 ss:$0x81] =	vst.msk $0xffff, v11;
	s1 =	sadd.s32 s0, s26;
	(pc) =	sbr.rel @!p1 .LBB1_7-.Ltmp5, $4  }
0x61: {  	v3 =	vld.idx.msk [tilespmem:v0+s30+$0x10 ss:$0x1], $0xffff;
	[tilespmem:s1+$0x0 ss:$0x81] =	vst.msk $0xffff, v8;
	s1 =	sadd.s32 s0, s27  }
0x62: {  	v4 =	vld.idx.msk [tilespmem:v0+s30+$0x20 ss:$0x1], $0xffff;
	[tilespmem:s1+$0x0 ss:$0x81] =	vst.msk $0xffff, v9;
	s1 =	sadd.s32 s0, s25  }
0x63: {  	s31 =	simm.s32 $0x2;
	s29 =	sand.u32 $0x7F, s2;
	v5 =	vld.idx.msk [tilespmem:v0+s30+$0x30 ss:$0x1], $0xffff;
	[tilespmem:s1+$0x0 ss:$0x81] =	vst.msk $0xffff, v10;
	s1 =	sadd.s32 s0, s24  }
0x64: {  	s2 =	simm.s32 $0x100;
	s6 =	sadd.s32 s0, s23;
	p0 =	por $0x1, $0x1;
	v6 =	vld.idx.msk [tilespmem:v0+s30+$0x40 ss:$0x1], $0xffff;
	[tilespmem:s1+$0x0 ss:$0x81] =	vst.msk $0xffff, v7  }
.LBB1_8:
0x65: {  	s1 =	smov.u32 s31;
	s31 =	sadd.s32 $0x1, s31  }
0x66: {  	s0 =	sadd.s32 s29, s28;
	[tilespmem:s6+$0x0 ss:$0x81] =	vst.msk $0xffff, v1;
	v1 =	vld.idx.msk [tilespmem:v0+s30+$0x50 ss:$0x1], $0xffff;
	s30 =	sand.u32 $0x3F80, s2;
	p1 =	sne.s32 s18, s31  }
.Ltmp6:
0x67: {  	[tilespmem:s0+$0x0 ss:$0x81] =	vst.msk $0xffff, v2;
	v2 =	vld.idx.msk [tilespmem:v0+s30+$0x0 ss:$0x1], $0xffff;
	s0 =	sadd.s32 s29, s26;
	(pc) =	sbr.rel @p1 .LBB1_8-.Ltmp6, $4  }
0x68: {  	[tilespmem:s0+$0x0 ss:$0x81] =	vst.msk $0xffff, v3;
	v3 =	vld.idx.msk [tilespmem:v0+s30+$0x10 ss:$0x1], $0xffff;
	s0 =	sadd.s32 s29, s27  }
0x69: {  	[tilespmem:s0+$0x0 ss:$0x81] =	vst.msk $0xffff, v4;
	v4 =	vld.idx.msk [tilespmem:v0+s30+$0x20 ss:$0x1], $0xffff;
	s0 =	sadd.s32 s29, s25  }
0x6a: {  	[tilespmem:s0+$0x0 ss:$0x81] =	vst.msk $0xffff, v5;
	v5 =	vld.idx.msk [tilespmem:v0+s30+$0x30 ss:$0x1], $0xffff;
	s0 =	sadd.s32 s29, s24  }
0x6b: {  	s2 =	sadd.s32 $0x80, s2;
	s6 =	sadd.s32 s29, s23;
	s29 =	sand.u32 $0x7F, s1;
	[tilespmem:s0+$0x0 ss:$0x81] =	vst.msk $0xffff, v6;
	v6 =	vld.idx.msk [tilespmem:v0+s30+$0x40 ss:$0x1], $0xffff  }
0x6c: {  	_ =	sdelay $0x3  }
0x6d: {  	s0 =	smov.u32 s29;
	s31 =	smov.u32 s30;
	v11 =	vmovc v2;
	v8 =	vmovc v3;
	v9 =	vmov v4;
	v10 =	vmov v5;
	v7 =	vmov v6  }
.LBB1_10:
0x6e: {  	_ =	sdelay $0x2  }
0x6f: {  	s1 =	sadd.s32 s0, s28;
	[tilespmem:s6+$0x0 ss:$0x81] =	vst.msk @p0 $0xffff, v1;
	s22 =	sadd.s32 $0x1, s22  }
0x70: {  	v0 =	vld.idx.msk [tilespmem:v0+s31+$0x50 ss:$0x1], $0xffff;
	s26 =	sadd.s32 s0, s26;
	[tilespmem:s1+$0x0 ss:$0x81] =	vst.msk $0xffff, v11;
	p0 =	sne.s32 s22, s17  }
.Ltmp7:
0x71: {  	s28 =	sadd.s32 s0, s27;
	[tilespmem:s26+$0x0 ss:$0x81] =	vst.msk $0xffff, v8;
	(pc) =	sbr.rel @p0 .LBB1_4-.Ltmp7, $4  }
.Ltmp8:
0x72: {  	s29 =	sadd.s32 s0, s25;
	[tilespmem:s28+$0x0 ss:$0x81] =	vst.msk $0xffff, v9;
	(pc) =	sbr.rel @!p0 .LBB1_11-.Ltmp8, $4  }
0x73: {  	s30 =	sadd.s32 s0, s24;
	[tilespmem:s29+$0x0 ss:$0x81] =	vst.msk $0xffff, v10  }
0x74: {  	s31 =	sadd.s32 s0, s23;
	[tilespmem:s30+$0x0 ss:$0x81] =	vst.msk $0xffff, v7  }
0x75: {  	[tilespmem:s31+$0x0 ss:$0x81] =	vst.msk $0xffff, v0  }
0x76: {  	_ = 	snop  }
.LBB1_5:
.Ltmp9:
0x77: {  	(pc) =	sbr.rel .LBB1_10-.Ltmp9, $2  }
0x78: {  	_ =	sdelay $0x2  }
0x79: {  	_ = 	snop  }
.LBB1_7:
.Ltmp10:
0x7a: {  	_ = 	snop;
	(pc) =	sbr.rel .LBB1_10-.Ltmp10, $2  }
0x7b: {  	_ =	sdelay $0x2  }
0x7c: {  	s0 =	smov.u32 s29;
	s31 =	smov.u32 s30;
	v11 =	vmovc v2;
	v8 =	vmovc v3;
	v9 =	vmov v4;
	v10 =	vmov v5;
	v7 =	vmov v6  }
.LBB1_13:
0x7d: {  	_ =	sfence.sel $0x180000  }
0x7e: {  	s0 =	simm.s32 $0x1;
	[bflag:$0x0] =	sbarrier.arrive $0xFFFF  }
0x7f: {  	s31 =	simm.s32 $0x2;
	[sflag:s0] =	ssyncpa.u1 $0x1  }
0x80: {  	[sflag:s31] =	ssyncpa.u1 $0x1  }
0x81: {  	_ =	strace $0x90000047  }
0x82: {  	[bflag:$0x2] =	sbarrier.arrive $0xFFFF  }
0x83: {  	p0 =	sne.s32 s17, $0x0;
	s0 =	rddreg [dreg:$0x2]  }
0x84: {  	s0 =	sadd.s32 @!p0 $0x100000, s0  }
0x85: {  	[sflag:s0] =	ssyncadd.tile.s32 @!p0 $0x1;
	_ =	shalt  }
.Lfunc_end1:
_tile_overlayer_lowered:
.L_overlay_start_2:
0x86: {  	(tag) =	ssettag $0x2  }
0x87: {  	s0 =	rddreg [dreg:$0x0];
	s2 =	stileid.u32  }
0x88: {  	s1 =	rddreg [dreg:$0x1];
	p0 =	sne.s32 s2, $0x0  }
0x89: {  	s3 =	rddreg [dreg:$0x2];
	[bflag:$0x3] =	sbarrier.arrive $0xFFFF;
	s2 =	simm.s32 @!p0 $0x1C01  }
0x8a: {  	[timem:s3], [sflag:s2] =	dma.local @!p0 [hbm:s0], s1  }
0x8b: {  	s0 =	simm.s32 @!p0 $0x1  }
0x8c: {  	_ =	swait.ge @!p0 [sflag:s0], s1  }
0x8d: {  	s1 =	ssub.s32 @!p0 $0x0, s1;
	[sflag:s0] =	ssyncset.done @!p0 $0x0  }
0x8e: {  	[sflag:s0] =	ssyncadd.s32 @!p0 s1  }
0x8f: {  	[bflag:$0x3] =	sbarrier.arrive $0xFFFF  }
0x90: {  	_ =	shalt  }

</sc_bundles>
